<compile_context>
chip_gen: v7x
topology: tpu7x:2x2x1
jax: 0.10.2.dev20260603
libtpu: 0.0.44.dev20260713+nightly
codegen_flags: <defaults>
</compile_context>

<pallas_src>
import functools

import jax
import jax.numpy as jnp
from jax import lax
from jax.experimental import pallas as pl
from jax.experimental.pallas import tpu as pltpu
from jax.experimental.pallas import tpu_sc as plsc

N = 10000
E = 320000
B = 100
EXPR = 2048
DF = 128
DN = 200
S_BN = 1.0 / (1.0 + 1e-5) ** 0.5

NC, NS = 2, 16
NW = NC * NS
CHUNK = 128
CH = 80
CH0 = 112
CH1 = 2 * CH - CH0
CHH0 = CH0 // 2
NCHROW = NS * (CH0 + CH1)
E_PAD = NW * CH * CHUNK
NPAD = N + 16
STRIPE = 632
NAGG = NS * STRIPE

RB = 2000
R = 200
NBR = N // R
GP = 104

def _sc_agg_body(drug_hbm, src_hbm, dst_hbm, zeros_hbm, out_hbm,
                 src_v, dst_v, rows_v, agg_sp, sem0, sem1):
    c = lax.axis_index("c")
    s = lax.axis_index("s")
    row0 = s * STRIPE
    pltpu.sync_copy(zeros_hbm, agg_sp.at[pl.ds(row0, STRIPE)])
    plsc.subcore_barrier()

    tb = jnp.where(c == 0, s * CH0, NS * CH0 + s * CH1)
    nch = jnp.where(c == 0, CH0, CH1)
    chh = nch // 2
    sems = (sem0, sem1)
    for phase in range(2):
        base = pl.multiple_of(tb + phase * chh, 8)
        pltpu.sync_copy(src_hbm.at[pl.ds(base, CHH0)], src_v)
        pltpu.sync_copy(dst_hbm.at[pl.ds(base, CHH0)], dst_v)
        pltpu.async_copy(drug_hbm.at[src_v.at[0]], rows_v.at[0], sem0)
        pltpu.async_copy(drug_hbm.at[src_v.at[1]], rows_v.at[1], sem1)

        def pair_body(g, carry):
            for b in range(2):
                j = 2 * g + b
                pltpu.make_async_copy(drug_hbm.at[pl.ds(0, CHUNK)],
                                      rows_v.at[b], sems[b]).wait()

                @pl.when(j + 2 < chh)
                def _prefetch(j=j, b=b):
                    pltpu.async_copy(drug_hbm.at[src_v.at[j + 2]],
                                     rows_v.at[b], sems[b])

                pltpu.sync_copy(rows_v.at[b], agg_sp.at[dst_v.at[j]],
                                add=True)
            return carry

        lax.fori_loop(0, chh // 2, pair_body, 0)
    plsc.subcore_barrier()
    pltpu.sync_copy(agg_sp.at[pl.ds(row0, STRIPE)],
                    out_hbm.at[c, pl.ds(row0, STRIPE)])


@functools.lru_cache(maxsize=1)
def _make_sc_agg():
    mesh = plsc.VectorSubcoreMesh(core_axis_name="c", subcore_axis_name="s",
                                  num_cores=NC, num_subcores=NS)
    return pl.kernel(
        _sc_agg_body,
        out_type=jax.ShapeDtypeStruct((NC, NAGG, DF), jnp.float32),
        mesh=mesh,
        scratch_types=[
            pltpu.VMEM((CHH0, CHUNK), jnp.int32),
            pltpu.VMEM((CHH0, CHUNK), jnp.int32),
            pltpu.VMEM((2, CHUNK, DF), jnp.float32),
            pltpu.VMEM_SHARED((NAGG, DF), jnp.float32),
            pltpu.SemaphoreType.DMA,
            pltpu.SemaphoreType.DMA,
        ],
    )


def _a_body(agg_ref, dx_ref, wrel_ref, brel_ref, wroot_ref, tw_ref,
            h_ref, sc_ref):
    agg = agg_ref[0] + agg_ref[1]
    h = jnp.dot(agg, wrel_ref[...], preferred_element_type=jnp.float32)
    h = h + brel_ref[...]
    h = h + jnp.dot(dx_ref[...], wroot_ref[...],
                    preferred_element_type=jnp.float32)
    h = jnp.maximum(h * S_BN, 0.0)
    h_ref[...] = h
    tw = tw_ref[...]
    inv = lax.rsqrt(jnp.sum(tw * tw))
    sc_ref[...] = jnp.tanh(
        jnp.dot(h, tw, preferred_element_type=jnp.float32) * inv)


def _bc_body(jlo_ref, jhi_ref, blo_ref, bhi_ref, h_ref, sr_ref, ir_ref,
             br_ref, sc3_ref, bc3_ref, ic3_ref, out_ref,
             cnt_ref, sum1_ref, max1_ref, sum2_ref, max2_ref):
    i = pl.program_id(0)

    @pl.when(i == 0)
    def _init():
        cnt_ref[...] = jnp.zeros((GP, 1), jnp.float32)
        sum1_ref[...] = jnp.zeros((GP, DN), jnp.float32)
        max1_ref[...] = jnp.full((GP, DN), -1e30, jnp.float32)
        sum2_ref[...] = jnp.zeros((GP, DN), jnp.float32)
        max2_ref[...] = jnp.full((GP, DN), -1e30, jnp.float32)

    sr = sr_ref[...]
    br = br_ref[...]
    ir = ir_ref[...]
    zero = jnp.zeros((R, 1), jnp.float32)

    def col(j, carry):
        rank, n = carry
        scj = sc3_ref[j]
        bcj = bc3_ref[j]
        icj = ic3_ref[j]
        same = br == bcj
        better = (scj > sr) | ((scj == sr) & (icj < ir))
        rank = rank + jnp.sum(jnp.where(same & better, 1.0, 0.0),
                              axis=1, keepdims=True)
        n = n + jnp.sum(jnp.where(same, 1.0, 0.0), axis=1, keepdims=True)
        return rank, n

    rank, n = lax.fori_loop(jlo_ref[i], jhi_ref[i] + 1, col, (zero, zero))
    kper_node = jnp.ceil(0.8 * n)
    mkb = rank < kper_node

    hb = h_ref[...]
    bb = br_ref[...]
    scaled = hb * sr
    g_lo = blo_ref[i]
    g_hi = bhi_ref[i]

    def per_g(g, carry):
        sel = bb == g
        s1 = jnp.sum(jnp.where(sel, hb, 0.0), axis=0, keepdims=True)
        m1 = jnp.max(jnp.where(sel, hb, -1e30), axis=0, keepdims=True)
        selm = sel & mkb
        s2 = jnp.sum(jnp.where(selm, scaled, 0.0), axis=0, keepdims=True)
        m2 = jnp.max(jnp.where(selm, scaled, -1e30), axis=0, keepdims=True)
        cg = jnp.sum(jnp.where(sel, 1.0, 0.0), axis=0, keepdims=True)
        cnt_ref[pl.ds(g, 1), :] = cnt_ref[pl.ds(g, 1), :] + cg
        sum1_ref[pl.ds(g, 1), :] = sum1_ref[pl.ds(g, 1), :] + s1
        max1_ref[pl.ds(g, 1), :] = jnp.maximum(max1_ref[pl.ds(g, 1), :], m1)
        sum2_ref[pl.ds(g, 1), :] = sum2_ref[pl.ds(g, 1), :] + s2
        max2_ref[pl.ds(g, 1), :] = jnp.maximum(max2_ref[pl.ds(g, 1), :], m2)
        return carry

    lax.fori_loop(g_lo, g_hi + 1, per_g, 0)

    @pl.when(i == NBR - 1)
    def _fin():
        cnt = cnt_ref[...]
        kper = jnp.ceil(0.8 * cnt)
        gmp1 = jnp.where(cnt > 0, max1_ref[...], 0.0)
        gap1 = sum1_ref[...] / jnp.maximum(cnt, 1.0)
        gmp2 = jnp.where(kper > 0, max2_ref[...], 0.0)
        gap2 = sum2_ref[...] / jnp.maximum(kper, 1.0)
        out_ref[0] = jnp.maximum(gmp1 + 3.0 * gmp2, 0.0)
        out_ref[1] = jnp.maximum(gap1 + 3.0 * gap2, 0.0)


def _d_body(x_ref, w1_ref, b1_ref, w2_ref, b2_ref, ax_ref,
            pwf_ref, pwa_ref, pb_ref, f_ref, r_ref):
    x = x_ref[...] * S_BN
    h1 = jnp.dot(x, w1_ref[...], preferred_element_type=jnp.float32)
    h1 = jnp.maximum((h1 + b1_ref[...]) * S_BN, 0.0)
    f = jnp.dot(h1, w2_ref[...], preferred_element_type=jnp.float32)
    f = jnp.maximum((f + b2_ref[...]) * S_BN, 0.0)
    f_ref[...] = f
    f1 = f[0:B, :]
    r = jnp.dot(f1, pwf_ref[...], preferred_element_type=jnp.float32)
    r = r + jnp.dot(ax_ref[0], pwa_ref[0],
                    preferred_element_type=jnp.float32)
    r = r + jnp.dot(ax_ref[1], pwa_ref[1],
                    preferred_element_type=jnp.float32)
    r_ref[...] = r + pb_ref[...]


def kernel(x1, x2, batch_idx, edge_attr, edge_index, drug_x,
           em_w1, em_b1, em_w2, em_b2, gc_w_rel, gc_b_rel, gc_w_root,
           topk_w, pm_w, pm_b):
    del edge_attr
    batch_idx = batch_idx.astype(jnp.int32)
    edge_index = edge_index.astype(jnp.int32)

    npad = (NCHROW + CHH0) * CHUNK - E
    src_p = jnp.concatenate(
        [edge_index[0], jnp.full((npad,), N, jnp.int32)]
    ).reshape(NCHROW + CHH0, CHUNK)
    dst_p = jnp.concatenate(
        [edge_index[1], jnp.zeros((npad,), jnp.int32)]
    ).reshape(NCHROW + CHH0, CHUNK)
    drug_pad = jnp.concatenate(
        [drug_x, jnp.zeros((NPAD - N, DF), jnp.float32)], axis=0)
    zeros_hbm = jnp.zeros((STRIPE, DF), jnp.float32)
    agg = _make_sc_agg()(drug_pad, src_p, dst_p, zeros_hbm)

    h, score = pl.pallas_call(
        _a_body,
        grid=(N // RB,),
        in_specs=[
            pl.BlockSpec((NC, RB, DF), lambda i: (0, i, 0)),
            pl.BlockSpec((RB, DF), lambda i: (i, 0)),
            pl.BlockSpec((DF, DN), lambda i: (0, 0)),
            pl.BlockSpec((1, DN), lambda i: (0, 0)),
            pl.BlockSpec((DF, DN), lambda i: (0, 0)),
            pl.BlockSpec((DN, 1), lambda i: (0, 0)),
        ],
        out_specs=[
            pl.BlockSpec((RB, DN), lambda i: (i, 0)),
            pl.BlockSpec((RB, 1), lambda i: (i, 0)),
        ],
        out_shape=[
            jax.ShapeDtypeStruct((N, DN), jnp.float32),
            jax.ShapeDtypeStruct((N, 1), jnp.float32),
        ],
    )(agg, drug_x, gc_w_rel, gc_b_rel.reshape(1, DN), gc_w_root,
      topk_w.reshape(DN, 1))

    iota = jnp.arange(N, dtype=jnp.float32)
    blo = batch_idx[0::R]
    bhi = batch_idx[R - 1::R]
    jlo = jnp.searchsorted(bhi, blo, side="left").astype(jnp.int32)
    jhi = (jnp.searchsorted(blo, bhi, side="right") - 1).astype(jnp.int32)
    smem_spec = pl.BlockSpec(memory_space=pltpu.SMEM)
    allx = pl.pallas_call(
        _bc_body,
        grid=(NBR,),
        in_specs=[
            smem_spec,
            smem_spec,
            smem_spec,
            smem_spec,
            pl.BlockSpec((R, DN), lambda i: (i, 0)),
            pl.BlockSpec((R, 1), lambda i: (i, 0)),
            pl.BlockSpec((R, 1), lambda i: (i, 0)),
            pl.BlockSpec((R, 1), lambda i: (i, 0)),
            pl.BlockSpec((NBR, 1, R), lambda i: (0, 0, 0)),
            pl.BlockSpec((NBR, 1, R), lambda i: (0, 0, 0)),
            pl.BlockSpec((NBR, 1, R), lambda i: (0, 0, 0)),
        ],
        out_specs=pl.BlockSpec((2, GP, DN), lambda i: (0, 0, 0)),
        out_shape=jax.ShapeDtypeStruct((2, GP, DN), jnp.float32),
        scratch_shapes=[
            pltpu.VMEM((GP, 1), jnp.float32),
            pltpu.VMEM((GP, DN), jnp.float32),
            pltpu.VMEM((GP, DN), jnp.float32),
            pltpu.VMEM((GP, DN), jnp.float32),
            pltpu.VMEM((GP, DN), jnp.float32),
        ],
    )(jlo, jhi, blo, bhi, h, score, iota.reshape(N, 1),
      batch_idx.reshape(N, 1), score.reshape(NBR, 1, R),
      batch_idx.reshape(NBR, 1, R), iota.reshape(NBR, 1, R))

    xcat = jnp.concatenate([x1, x2], axis=0)
    f, resp = pl.pallas_call(
        _d_body,
        out_shape=[
            jax.ShapeDtypeStruct((2 * B, B), jnp.float32),
            jax.ShapeDtypeStruct((B, 1), jnp.float32),
        ],
    )(xcat, em_w1, em_b1.reshape(1, 1024), em_w2, em_b2.reshape(1, B),
      allx[:, :B, :], pm_w[0:B], pm_w[B:].reshape(2, DN, 1),
      pm_b.reshape(1, 1))
    return f[:B], f[B:], resp

# --- scband reference (transcript-rebuilt; emitter-appended) ---
"""Pipeline reference for scband-pace-19567871000638 (READ-ONLY COPY).

The authoritative reference and input builder live on the scoring server;
editing this copy changes nothing except your own understanding.
"""

import jax, jax.numpy as jnp
import numpy as np

N = 10000
E = 320000
B = 100
EXPR = 2048
DFEAT = 128
DNODES = 200


def setup_inputs(seed: int = 0) -> dict:
    key = jax.random.key(seed)
    ks = jax.random.split(key, 16)
    x1 = jax.random.normal(ks[0], (B, EXPR), dtype=jnp.float32)
    x2 = jax.random.normal(ks[1], (B, EXPR), dtype=jnp.float32)
    batch_idx = jnp.sort(jax.random.randint(ks[2], (N,), 0, B, dtype=jnp.int32))
    edge_attr = jax.random.normal(ks[3], (E, 4), dtype=jnp.float32)
    edge_index = jax.random.randint(ks[4], (2, E), 0, N, dtype=jnp.int32)
    drug_x = jax.random.normal(ks[5], (N, DFEAT), dtype=jnp.float32)
    em_w1 = jax.random.normal(ks[6], (EXPR, 1024), dtype=jnp.float32) * 0.02
    em_b1 = jnp.zeros((1024,), dtype=jnp.float32)
    em_w2 = jax.random.normal(ks[7], (1024, 100), dtype=jnp.float32) * 0.05
    em_b2 = jnp.zeros((100,), dtype=jnp.float32)
    gc_w_rel = jax.random.normal(ks[8], (DFEAT, DNODES), dtype=jnp.float32) * 0.05
    gc_b_rel = jnp.zeros((DNODES,), dtype=jnp.float32)
    gc_w_root = jax.random.normal(ks[9], (DFEAT, DNODES), dtype=jnp.float32) * 0.05
    topk_w = jax.random.normal(ks[10], (DNODES,), dtype=jnp.float32)
    pm_w = jax.random.normal(ks[11], (100 + 2 * DNODES, 1), dtype=jnp.float32) * 0.05
    pm_b = jnp.zeros((1,), dtype=jnp.float32)
    return {"x1": x1, "x2": x2, "batch_idx": batch_idx, "edge_attr": edge_attr,
            "edge_index": edge_index, "drug_x": drug_x,
            "em_w1": em_w1, "em_b1": em_b1, "em_w2": em_w2, "em_b2": em_b2,
            "gc_w_rel": gc_w_rel, "gc_b_rel": gc_b_rel, "gc_w_root": gc_w_root,
            "topk_w": topk_w, "pm_w": pm_w, "pm_b": pm_b}


def _bn(x):
    # Freshly-initialized BatchNorm1d in eval mode: running_mean=0, running_var=1,
    # gamma=1, beta=0 -> x / sqrt(1 + eps)
    return x / np.sqrt(1.0 + 1e-5)


def reference(x1, x2, batch_idx, edge_attr, edge_index, drug_x,
              em_w1, em_b1, em_w2, em_b2, gc_w_rel, gc_b_rel, gc_w_root,
              topk_w, pm_w, pm_b):
    batch_idx = batch_idx.astype(jnp.int32)
    edge_index = edge_index.astype(jnp.int32)

    def em(x):
        h = _bn(x)
        h = h @ em_w1 + em_b1
        h = jax.nn.relu(_bn(h))
        h = h @ em_w2 + em_b2
        h = jax.nn.relu(_bn(h))
        return h  # Dropout is identity in eval

    f1 = em(x1)
    f2 = em(x2)

    # --- GraphConv(drug_dim, drug_nodes), aggr='add' ---
    src, dst = edge_index[0], edge_index[1]
    agg = jax.ops.segment_sum(drug_x[src], dst, num_segments=N)
    h = agg @ gc_w_rel + gc_b_rel + drug_x @ gc_w_root
    h = jax.nn.relu(_bn(h))

    counts = jnp.bincount(batch_idx, length=B)
    cnt = jnp.maximum(counts, 1)
    gmp1 = jax.ops.segment_max(h, batch_idx, num_segments=B)
    gmp1 = jnp.where(counts[:, None] > 0, gmp1, 0.0)
    gap1 = jax.ops.segment_sum(h, batch_idx, num_segments=B) / cnt[:, None].astype(h.dtype)
    m1 = jnp.concatenate([gmp1, gap1], axis=1)

    # --- TopKPooling(drug_nodes, ratio=0.8): score = tanh(x@w/||w||), keep top ceil(0.8*n_i) per graph ---
    score = jnp.tanh((h @ topk_w) / jnp.linalg.norm(topk_w))
    key_sort = batch_idx.astype(jnp.float32) * 4.0 - score
    order = jnp.argsort(key_sort)
    starts = jnp.concatenate([jnp.zeros((1,), counts.dtype), jnp.cumsum(counts)[:-1]])
    bsorted = batch_idx[order]
    rank_sorted = jnp.arange(N, dtype=counts.dtype) - starts[bsorted]
    rank = jnp.zeros((N,), rank_sorted.dtype).at[order].set(rank_sorted)
    kper = jnp.ceil(0.8 * counts.astype(jnp.float32)).astype(jnp.int32)
    mask = rank < kper[batch_idx]
    scaled = h * score[:, None]
    gmp2 = jax.ops.segment_max(jnp.where(mask[:, None], scaled, -1e30), batch_idx, num_segments=B)
    gmp2 = jnp.where(kper[:, None] > 0, gmp2, 0.0)
    gap2 = jax.ops.segment_sum(jnp.where(mask[:, None], scaled, 0.0), batch_idx, num_segments=B)
    gap2 = gap2 / jnp.maximum(kper, 1)[:, None].astype(h.dtype)
    m2 = jnp.concatenate([gmp2, gap2], axis=1)

    # loop adds m2 at i=1 (post-TopK), i=2 (BN layer not applied in branch), i=3 (Dropout=identity)
    all_x = jax.nn.relu(m1 + 3.0 * m2)

    z1 = jnp.concatenate([f1, all_x], axis=1)
    resp = z1 @ pm_w + pm_b
    return (f1, f2, resp)

if __name__ == "__main__":
    import jax
    _d = setup_inputs()
    print(jax.jit(kernel)(*tuple(_d.values())))

</pallas_src>

<mosaic_0001>
#map = affine_map<(d0, d1) -> (0, 0)>
#map1 = affine_map<(d0, d1) -> (0, 0, 0)>
module attributes {stable_mosaic.version = 14 : i64} {
  func.func @_sc_agg_body(%arg0: i32, %arg1: i32, %arg2: memref<10016x128xf32, #tpu.memory_space<hbm>>, %arg3: memref<2616x128xi32, #tpu.memory_space<hbm>>, %arg4: memref<2616x128xi32, #tpu.memory_space<hbm>>, %arg5: memref<632x128xf32, #tpu.memory_space<hbm>>, %arg6: memref<2x10112x128xf32, #tpu.memory_space<hbm>>, %arg7: memref<56x128xi32, #tpu.memory_space<vmem>>, %arg8: memref<56x128xi32, #tpu.memory_space<vmem>>, %arg9: memref<2x128x128xf32, #tpu.memory_space<vmem>>, %arg10: memref<10112x128xf32, #tpu.memory_space<vmem_shared>>, %arg11: memref<!tpu.dma_semaphore, #tpu.memory_space<semaphore_mem>>, %arg12: memref<!tpu.dma_semaphore, #tpu.memory_space<semaphore_mem>>) attributes {dimension_semantics = [#tpu.dimension_semantics<core_parallel>, #tpu.dimension_semantics<subcore_parallel>], iteration_bounds = array<i64: 2, 16>, scalar_prefetch = 0 : i64, scratch_operands = 6 : i64, tpu.core_type = #tpu.core_type<sc_vector_subcore>, window_params = [{transform_indices = #map}, {transform_indices = #map}, {transform_indices = #map}, {transform_indices = #map}, {transform_indices = #map1}]} {
    %mul3A = arith.constant 632 : i32
    %mul3A_0 = arith.muli %arg1, %mul3A : i32
    "tpu.region"() ({
      %run_scoped3A = tpu.sem_alloc : memref<!tpu.dma_semaphore, #tpu.memory_space<semaphore_mem>>
      %dma_start3A_151 = arith.constant 0 : i32
      %dma_start3A_152 = tpu.memref_slice %arg10[%mul3A_0, %dma_start3A_151] : memref<10112x128xf32, #tpu.memory_space<vmem_shared>> -> memref<632x128xf32, #tpu.memory_space<vmem_shared>>
      tpu.enqueue_dma source(%arg5 : memref<632x128xf32, #tpu.memory_space<hbm>>) target(%dma_start3A_152 : memref<632x128xf32, #tpu.memory_space<vmem_shared>>) target_semaphore(%run_scoped3A : memref<!tpu.dma_semaphore, #tpu.memory_space<semaphore_mem>>)
      %dma_wait3A = arith.constant 0 : i32
      %dma_wait3A_153 = tpu.memref_slice %arg10[%mul3A_0, %dma_wait3A] : memref<10112x128xf32, #tpu.memory_space<vmem_shared>> -> memref<632x128xf32, #tpu.memory_space<vmem_shared>>
      tpu.wait_dma2 semaphore(%run_scoped3A : memref<!tpu.dma_semaphore, #tpu.memory_space<semaphore_mem>>) src(%arg5 : memref<632x128xf32, #tpu.memory_space<hbm>>) dst(%dma_wait3A_153 : memref<632x128xf32, #tpu.memory_space<vmem_shared>>)
      tpu.yield
    }) : () -> ()
    %barrier3A = arith.constant 0 : index
    tpu.barrier barrier_id(%barrier3A)
    %eq3A = arith.constant 0 : i32
    %eq3A_1 = arith.cmpi eq, %arg0, %eq3A : i32
    %mul3A_2 = arith.constant 112 : i32
    %mul3A_3 = arith.muli %arg1, %mul3A_2 : i32
    %mul3A_4 = arith.constant 48 : i32
    %mul3A_5 = arith.muli %arg1, %mul3A_4 : i32
    %add3A = arith.constant 1792 : i32
    %add3A_6 = arith.addi %add3A, %mul3A_5 : i32
    %select_n3A = arith.select %eq3A_1, %mul3A_3, %add3A_6 : i32
    %eq3A_7 = arith.constant 0 : i32
    %eq3A_8 = arith.cmpi eq, %arg0, %eq3A_7 : i32
    %jit3A = arith.constant 112 : i32
    %jit3A_9 = arith.constant 48 : i32
    %select_n3A_10 = arith.select %eq3A_8, %jit3A, %jit3A_9 : i32
    %jit3A_11 = arith.constant 2 : i32
    %div3A = arith.divsi %select_n3A_10, %jit3A_11 : i32
    %sign3A = arith.constant 0 : i32
    %sign3A_12 = arith.cmpi sgt, %select_n3A_10, %sign3A : i32
    %sign3A_13 = arith.extui %sign3A_12 : i1 to i32
    %sign3A_14 = arith.constant 0 : i32
    %sign3A_15 = arith.cmpi slt, %select_n3A_10, %sign3A_14 : i32
    %sign3A_16 = arith.extui %sign3A_15 : i1 to i32
    %sign3A_17 = arith.subi %sign3A_13, %sign3A_16 : i32
    %sign3A_18 = arith.constant 0 : i32
    %sign3A_19 = arith.cmpi sgt, %jit3A_11, %sign3A_18 : i32
    %sign3A_20 = arith.extui %sign3A_19 : i1 to i32
    %sign3A_21 = arith.constant 0 : i32
    %sign3A_22 = arith.cmpi slt, %jit3A_11, %sign3A_21 : i32
    %sign3A_23 = arith.extui %sign3A_22 : i1 to i32
    %sign3A_24 = arith.subi %sign3A_20, %sign3A_23 : i32
    %ne3A = arith.cmpi ne, %sign3A_17, %sign3A_24 : i32
    %rem3A = arith.remsi %select_n3A_10, %jit3A_11 : i32
    %ne3A_25 = arith.constant 0 : i32
    %ne3A_26 = arith.cmpi ne, %rem3A, %ne3A_25 : i32
    %and3A = arith.andi %ne3A, %ne3A_26 : i1
    %sub3A = arith.constant 1 : i32
    %sub3A_27 = arith.subi %div3A, %sub3A : i32
    %select_n3A_28 = arith.select %and3A, %sub3A_27, %div3A : i32
    %mul3A_29 = arith.constant 0 : i32
    %mul3A_30 = arith.muli %mul3A_29, %select_n3A_28 : i32
    %add3A_31 = arith.addi %select_n3A, %mul3A_30 : i32
    %multiple_of3A = tpu.assume_multiple %add3A_31, 8 : i32
    "tpu.region"() ({
      %run_scoped3A = tpu.sem_alloc : memref<!tpu.dma_semaphore, #tpu.memory_space<semaphore_mem>>
      %dma_start3A_151 = arith.constant 0 : i32
      %dma_start3A_152 = tpu.memref_slice %arg3[%multiple_of3A, %dma_start3A_151] : memref<2616x128xi32, #tpu.memory_space<hbm>> -> memref<56x128xi32, #tpu.memory_space<hbm>>
      %dma_start3A_153 = arith.constant 0 : i32
      %dma_start3A_154 = tpu.memref_slice %arg3[%multiple_of3A, %dma_start3A_153] : memref<2616x128xi32, #tpu.memory_space<hbm>> -> memref<56x128xi32, #tpu.memory_space<hbm>>
      tpu.enqueue_dma source(%dma_start3A_154 : memref<56x128xi32, #tpu.memory_space<hbm>>) target(%arg7 : memref<56x128xi32, #tpu.memory_space<vmem>>) target_semaphore(%run_scoped3A : memref<!tpu.dma_semaphore, #tpu.memory_space<semaphore_mem>>)
      %dma_wait3A = arith.constant 0 : i32
      %dma_wait3A_155 = tpu.memref_slice %arg3[%multiple_of3A, %dma_wait3A] : memref<2616x128xi32, #tpu.memory_space<hbm>> -> memref<56x128xi32, #tpu.memory_space<hbm>>
      %dma_wait3A_156 = arith.constant 0 : i32
      %dma_wait3A_157 = tpu.memref_slice %arg3[%multiple_of3A, %dma_wait3A_156] : memref<2616x128xi32, #tpu.memory_space<hbm>> -> memref<56x128xi32, #tpu.memory_space<hbm>>
      tpu.wait_dma2 semaphore(%run_scoped3A : memref<!tpu.dma_semaphore, #tpu.memory_space<semaphore_mem>>) src(%dma_wait3A_157 : memref<56x128xi32, #tpu.memory_space<hbm>>) dst(%arg7 : memref<56x128xi32, #tpu.memory_space<vmem>>)
      tpu.yield
    }) : () -> ()
    "tpu.region"() ({
      %run_scoped3A = tpu.sem_alloc : memref<!tpu.dma_semaphore, #tpu.memory_space<semaphore_mem>>
      %dma_start3A_151 = arith.constant 0 : i32
      %dma_start3A_152 = tpu.memref_slice %arg4[%multiple_of3A, %dma_start3A_151] : memref<2616x128xi32, #tpu.memory_space<hbm>> -> memref<56x128xi32, #tpu.memory_space<hbm>>
      %dma_start3A_153 = arith.constant 0 : i32
      %dma_start3A_154 = tpu.memref_slice %arg4[%multiple_of3A, %dma_start3A_153] : memref<2616x128xi32, #tpu.memory_space<hbm>> -> memref<56x128xi32, #tpu.memory_space<hbm>>
      tpu.enqueue_dma source(%dma_start3A_154 : memref<56x128xi32, #tpu.memory_space<hbm>>) target(%arg8 : memref<56x128xi32, #tpu.memory_space<vmem>>) target_semaphore(%run_scoped3A : memref<!tpu.dma_semaphore, #tpu.memory_space<semaphore_mem>>)
      %dma_wait3A = arith.constant 0 : i32
      %dma_wait3A_155 = tpu.memref_slice %arg4[%multiple_of3A, %dma_wait3A] : memref<2616x128xi32, #tpu.memory_space<hbm>> -> memref<56x128xi32, #tpu.memory_space<hbm>>
      %dma_wait3A_156 = arith.constant 0 : i32
      %dma_wait3A_157 = tpu.memref_slice %arg4[%multiple_of3A, %dma_wait3A_156] : memref<2616x128xi32, #tpu.memory_space<hbm>> -> memref<56x128xi32, #tpu.memory_space<hbm>>
      tpu.wait_dma2 semaphore(%run_scoped3A : memref<!tpu.dma_semaphore, #tpu.memory_space<semaphore_mem>>) src(%dma_wait3A_157 : memref<56x128xi32, #tpu.memory_space<hbm>>) dst(%arg8 : memref<56x128xi32, #tpu.memory_space<vmem>>)
      tpu.yield
    }) : () -> ()
    %dma_start3A = arith.constant 0 : i32
    %dma_start3A_32 = arith.constant 0 : i32
    %dma_start3A_33 = arith.constant 0 : i32
    %dma_start3A_34 = arith.constant 0 : i32
    %dma_start3A_35 = tpu.memref_slice %arg9[%dma_start3A_32, %dma_start3A_33, %dma_start3A_34] : memref<2x128x128xf32, #tpu.memory_space<vmem>> -> memref<1x128x128xf32, #tpu.memory_space<vmem>>
    %dma_start3A_36 = tpu.memref_squeeze %dma_start3A_35 : memref<1x128x128xf32, #tpu.memory_space<vmem>> -> memref<128x128xf32, #tpu.memory_space<vmem>>
    %dma_start3A_37 = arith.constant 0 : i32
    %dma_start3A_38 = tpu.memref_slice %arg7[%dma_start3A, %dma_start3A_37] : memref<56x128xi32, #tpu.memory_space<vmem>> -> memref<1x128xi32, #tpu.memory_space<vmem>>
    %dma_start3A_39 = tpu.memref_squeeze %dma_start3A_38 : memref<1x128xi32, #tpu.memory_space<vmem>> -> memref<128xi32, #tpu.memory_space<vmem>>
    %dma_start3A_40 = arith.constant 0 : i32
    %dma_start3A_41 = arith.constant 0 : i32
    %dma_start3A_42 = tpu.memref_slice %arg2[%dma_start3A_40, %dma_start3A_41] : memref<10016x128xf32, #tpu.memory_space<hbm>> -> memref<10016x128xf32, #tpu.memory_space<hbm>>
    tpu.enqueue_indirect_dma source(%dma_start3A_42 : memref<10016x128xf32, #tpu.memory_space<hbm>>) target(%dma_start3A_36 : memref<128x128xf32, #tpu.memory_space<vmem>>) offsets(%dma_start3A_39 : memref<128xi32, #tpu.memory_space<vmem>>) semaphore(%arg11 : memref<!tpu.dma_semaphore, #tpu.memory_space<semaphore_mem>>)
    %dma_start3A_43 = arith.constant 1 : i32
    %dma_start3A_44 = arith.constant 1 : i32
    %dma_start3A_45 = arith.constant 0 : i32
    %dma_start3A_46 = arith.constant 0 : i32
    %dma_start3A_47 = tpu.memref_slice %arg9[%dma_start3A_44, %dma_start3A_45, %dma_start3A_46] : memref<2x128x128xf32, #tpu.memory_space<vmem>> -> memref<1x128x128xf32, #tpu.memory_space<vmem>>
    %dma_start3A_48 = tpu.memref_squeeze %dma_start3A_47 : memref<1x128x128xf32, #tpu.memory_space<vmem>> -> memref<128x128xf32, #tpu.memory_space<vmem>>
    %dma_start3A_49 = arith.constant 0 : i32
    %dma_start3A_50 = tpu.memref_slice %arg7[%dma_start3A_43, %dma_start3A_49] : memref<56x128xi32, #tpu.memory_space<vmem>> -> memref<1x128xi32, #tpu.memory_space<vmem>>
    %dma_start3A_51 = tpu.memref_squeeze %dma_start3A_50 : memref<1x128xi32, #tpu.memory_space<vmem>> -> memref<128xi32, #tpu.memory_space<vmem>>
    %dma_start3A_52 = arith.constant 0 : i32
    %dma_start3A_53 = arith.constant 0 : i32
    %dma_start3A_54 = tpu.memref_slice %arg2[%dma_start3A_52, %dma_start3A_53] : memref<10016x128xf32, #tpu.memory_space<hbm>> -> memref<10016x128xf32, #tpu.memory_space<hbm>>
    tpu.enqueue_indirect_dma source(%dma_start3A_54 : memref<10016x128xf32, #tpu.memory_space<hbm>>) target(%dma_start3A_48 : memref<128x128xf32, #tpu.memory_space<vmem>>) offsets(%dma_start3A_51 : memref<128xi32, #tpu.memory_space<vmem>>) semaphore(%arg12 : memref<!tpu.dma_semaphore, #tpu.memory_space<semaphore_mem>>)
    %jit3A_55 = arith.constant 2 : i32
    %div3A_56 = arith.divsi %select_n3A_28, %jit3A_55 : i32
    %sign3A_57 = arith.constant 0 : i32
    %sign3A_58 = arith.cmpi sgt, %select_n3A_28, %sign3A_57 : i32
    %sign3A_59 = arith.extui %sign3A_58 : i1 to i32
    %sign3A_60 = arith.constant 0 : i32
    %sign3A_61 = arith.cmpi slt, %select_n3A_28, %sign3A_60 : i32
    %sign3A_62 = arith.extui %sign3A_61 : i1 to i32
    %sign3A_63 = arith.subi %sign3A_59, %sign3A_62 : i32
    %sign3A_64 = arith.constant 0 : i32
    %sign3A_65 = arith.cmpi sgt, %jit3A_55, %sign3A_64 : i32
    %sign3A_66 = arith.extui %sign3A_65 : i1 to i32
    %sign3A_67 = arith.constant 0 : i32
    %sign3A_68 = arith.cmpi slt, %jit3A_55, %sign3A_67 : i32
    %sign3A_69 = arith.extui %sign3A_68 : i1 to i32
    %sign3A_70 = arith.subi %sign3A_66, %sign3A_69 : i32
    %ne3A_71 = arith.cmpi ne, %sign3A_63, %sign3A_70 : i32
    %rem3A_72 = arith.remsi %select_n3A_28, %jit3A_55 : i32
    %ne3A_73 = arith.constant 0 : i32
    %ne3A_74 = arith.cmpi ne, %rem3A_72, %ne3A_73 : i32
    %and3A_75 = arith.andi %ne3A_71, %ne3A_74 : i1
    %sub3A_76 = arith.constant 1 : i32
    %sub3A_77 = arith.subi %div3A_56, %sub3A_76 : i32
    %select_n3A_78 = arith.select %and3A_75, %sub3A_77, %div3A_56 : i32
    %while3A = arith.constant 0 : i32
    %while3A_79 = arith.constant 0 : i32
    %while3A_80 = arith.subi %select_n3A_78, %while3A_79 : i32
    %while3A_81 = arith.addi %while3A_79, %while3A_80 : i32
    %while3A_82 = arith.constant 1 : i32
    %while3A_83 = arith.divsi %while3A_80, %while3A_82 : i32
    %while3A_84 = arith.muli %while3A_83, %while3A_82 : i32
    %while3A_85 = arith.addi %while3A_79, %while3A_84 : i32
    %while3A_86 = arith.constant 1 : i32
    scf.for %while3A_151 = %while3A_79 to %while3A_85 step %while3A_86  : i32 {
      %mul3A_152 = arith.constant 2 : i32
      %mul3A_153 = arith.muli %mul3A_152, %while3A_151 : i32
      %add3A_154 = arith.constant 0 : i32
      %add3A_155 = arith.addi %mul3A_153, %add3A_154 : i32
      %dma_wait3A = arith.constant 0 : i32
      %dma_wait3A_156 = arith.constant 0 : i32
      %dma_wait3A_157 = arith.constant 0 : i32
      %dma_wait3A_158 = tpu.memref_slice %arg9[%dma_wait3A, %dma_wait3A_156, %dma_wait3A_157] : memref<2x128x128xf32, #tpu.memory_space<vmem>> -> memref<1x128x128xf32, #tpu.memory_space<vmem>>
      %dma_wait3A_159 = tpu.memref_squeeze %dma_wait3A_158 : memref<1x128x128xf32, #tpu.memory_space<vmem>> -> memref<128x128xf32, #tpu.memory_space<vmem>>
      %dma_wait3A_160 = arith.constant 0 : i32
      %dma_wait3A_161 = arith.constant 0 : i32
      %dma_wait3A_162 = tpu.memref_slice %arg2[%dma_wait3A_160, %dma_wait3A_161] : memref<10016x128xf32, #tpu.memory_space<hbm>> -> memref<128x128xf32, #tpu.memory_space<hbm>>
      %dma_wait3A_163 = arith.constant 0 : i32
      %dma_wait3A_164 = arith.constant 0 : i32
      %dma_wait3A_165 = tpu.memref_slice %arg9[%dma_wait3A, %dma_wait3A_163, %dma_wait3A_164] : memref<2x128x128xf32, #tpu.memory_space<vmem>> -> memref<1x128x128xf32, #tpu.memory_space<vmem>>
      %dma_wait3A_166 = tpu.memref_squeeze %dma_wait3A_165 : memref<1x128x128xf32, #tpu.memory_space<vmem>> -> memref<128x128xf32, #tpu.memory_space<vmem>>
      %dma_wait3A_167 = arith.constant 0 : i32
      %dma_wait3A_168 = arith.constant 0 : i32
      %dma_wait3A_169 = tpu.memref_slice %arg2[%dma_wait3A_167, %dma_wait3A_168] : memref<10016x128xf32, #tpu.memory_space<hbm>> -> memref<128x128xf32, #tpu.memory_space<hbm>>
      tpu.wait_dma2 semaphore(%arg11 : memref<!tpu.dma_semaphore, #tpu.memory_space<semaphore_mem>>) src(%dma_wait3A_169 : memref<128x128xf32, #tpu.memory_space<hbm>>) dst(%dma_wait3A_166 : memref<128x128xf32, #tpu.memory_space<vmem>>)
      %add3A_170 = arith.constant 2 : i32
      %add3A_171 = arith.addi %add3A_155, %add3A_170 : i32
      %lt3A = arith.cmpi slt, %add3A_171, %select_n3A_28 : i32
      %convert_element_type3A = arith.extui %lt3A : i1 to i32
      %cond3A = arith.constant 0 : i32
      %cond3A_172 = arith.cmpi ne, %convert_element_type3A, %cond3A : i32
      scf.if %cond3A_172 {
        %add3A_199 = arith.constant 2 : i32
        %add3A_200 = arith.addi %add3A_155, %add3A_199 : i32
        %dma_start3A_201 = arith.constant 0 : i32
        %dma_start3A_202 = arith.constant 0 : i32
        %dma_start3A_203 = arith.constant 0 : i32
        %dma_start3A_204 = tpu.memref_slice %arg9[%dma_start3A_201, %dma_start3A_202, %dma_start3A_203] : memref<2x128x128xf32, #tpu.memory_space<vmem>> -> memref<1x128x128xf32, #tpu.memory_space<vmem>>
        %dma_start3A_205 = tpu.memref_squeeze %dma_start3A_204 : memref<1x128x128xf32, #tpu.memory_space<vmem>> -> memref<128x128xf32, #tpu.memory_space<vmem>>
        %dma_start3A_206 = arith.constant 0 : i32
        %dma_start3A_207 = tpu.memref_slice %arg7[%add3A_200, %dma_start3A_206] : memref<56x128xi32, #tpu.memory_space<vmem>> -> memref<1x128xi32, #tpu.memory_space<vmem>>
        %dma_start3A_208 = tpu.memref_squeeze %dma_start3A_207 : memref<1x128xi32, #tpu.memory_space<vmem>> -> memref<128xi32, #tpu.memory_space<vmem>>
        %dma_start3A_209 = arith.constant 0 : i32
        %dma_start3A_210 = arith.constant 0 : i32
        %dma_start3A_211 = tpu.memref_slice %arg2[%dma_start3A_209, %dma_start3A_210] : memref<10016x128xf32, #tpu.memory_space<hbm>> -> memref<10016x128xf32, #tpu.memory_space<hbm>>
        tpu.enqueue_indirect_dma source(%dma_start3A_211 : memref<10016x128xf32, #tpu.memory_space<hbm>>) target(%dma_start3A_205 : memref<128x128xf32, #tpu.memory_space<vmem>>) offsets(%dma_start3A_208 : memref<128xi32, #tpu.memory_space<vmem>>) semaphore(%arg11 : memref<!tpu.dma_semaphore, #tpu.memory_space<semaphore_mem>>)
      } else {
      }
      %run_scoped3A = arith.constant 0 : i32
      "tpu.region"() ({
        %run_scoped3A_199 = tpu.sem_alloc : memref<!tpu.dma_semaphore, #tpu.memory_space<semaphore_mem>>
        %dma_start3A_200 = arith.constant 0 : i32
        %dma_start3A_201 = arith.constant 0 : i32
        %dma_start3A_202 = tpu.memref_slice %arg9[%run_scoped3A, %dma_start3A_200, %dma_start3A_201] : memref<2x128x128xf32, #tpu.memory_space<vmem>> -> memref<1x128x128xf32, #tpu.memory_space<vmem>>
        %dma_start3A_203 = tpu.memref_squeeze %dma_start3A_202 : memref<1x128x128xf32, #tpu.memory_space<vmem>> -> memref<128x128xf32, #tpu.memory_space<vmem>>
        %dma_start3A_204 = arith.constant 0 : i32
        %dma_start3A_205 = tpu.memref_slice %arg8[%add3A_155, %dma_start3A_204] : memref<56x128xi32, #tpu.memory_space<vmem>> -> memref<1x128xi32, #tpu.memory_space<vmem>>
        %dma_start3A_206 = tpu.memref_squeeze %dma_start3A_205 : memref<1x128xi32, #tpu.memory_space<vmem>> -> memref<128xi32, #tpu.memory_space<vmem>>
        %dma_start3A_207 = arith.constant 0 : i32
        %dma_start3A_208 = arith.constant 0 : i32
        %dma_start3A_209 = tpu.memref_slice %arg10[%dma_start3A_207, %dma_start3A_208] : memref<10112x128xf32, #tpu.memory_space<vmem_shared>> -> memref<10112x128xf32, #tpu.memory_space<vmem_shared>>
        tpu.enqueue_indirect_dma source(%dma_start3A_203 : memref<128x128xf32, #tpu.memory_space<vmem>>) target(%dma_start3A_209 : memref<10112x128xf32, #tpu.memory_space<vmem_shared>>) offsets(%dma_start3A_206 : memref<128xi32, #tpu.memory_space<vmem>>) semaphore(%run_scoped3A_199 : memref<!tpu.dma_semaphore, #tpu.memory_space<semaphore_mem>>) {add = true}
        %dma_wait3A_210 = arith.constant 0 : i32
        %dma_wait3A_211 = arith.constant 0 : i32
        %dma_wait3A_212 = tpu.memref_slice %arg9[%run_scoped3A, %dma_wait3A_210, %dma_wait3A_211] : memref<2x128x128xf32, #tpu.memory_space<vmem>> -> memref<1x128x128xf32, #tpu.memory_space<vmem>>
        %dma_wait3A_213 = tpu.memref_squeeze %dma_wait3A_212 : memref<1x128x128xf32, #tpu.memory_space<vmem>> -> memref<128x128xf32, #tpu.memory_space<vmem>>
        %dma_wait3A_214 = arith.constant 0 : i32
        %dma_wait3A_215 = tpu.memref_slice %arg8[%add3A_155, %dma_wait3A_214] : memref<56x128xi32, #tpu.memory_space<vmem>> -> memref<1x128xi32, #tpu.memory_space<vmem>>
        %dma_wait3A_216 = tpu.memref_squeeze %dma_wait3A_215 : memref<1x128xi32, #tpu.memory_space<vmem>> -> memref<128xi32, #tpu.memory_space<vmem>>
        %dma_wait3A_217 = arith.constant 0 : i32
        %dma_wait3A_218 = arith.constant 0 : i32
        %dma_wait3A_219 = tpu.memref_slice %arg10[%dma_wait3A_217, %dma_wait3A_218] : memref<10112x128xf32, #tpu.memory_space<vmem_shared>> -> memref<10112x128xf32, #tpu.memory_space<vmem_shared>>
        tpu.wait_indirect_dma semaphore(%run_scoped3A_199 : memref<!tpu.dma_semaphore, #tpu.memory_space<semaphore_mem>>) src(%dma_wait3A_213 : memref<128x128xf32, #tpu.memory_space<vmem>>) dst(%dma_wait3A_219 : memref<10112x128xf32, #tpu.memory_space<vmem_shared>>)
        tpu.yield
      }) : () -> ()
      %mul3A_173 = arith.constant 2 : i32
      %mul3A_174 = arith.muli %mul3A_173, %while3A_151 : i32
      %add3A_175 = arith.constant 1 : i32
      %add3A_176 = arith.addi %mul3A_174, %add3A_175 : i32
      %dma_wait3A_177 = arith.constant 1 : i32
      %dma_wait3A_178 = arith.constant 0 : i32
      %dma_wait3A_179 = arith.constant 0 : i32
      %dma_wait3A_180 = tpu.memref_slice %arg9[%dma_wait3A_177, %dma_wait3A_178, %dma_wait3A_179] : memref<2x128x128xf32, #tpu.memory_space<vmem>> -> memref<1x128x128xf32, #tpu.memory_space<vmem>>
      %dma_wait3A_181 = tpu.memref_squeeze %dma_wait3A_180 : memref<1x128x128xf32, #tpu.memory_space<vmem>> -> memref<128x128xf32, #tpu.memory_space<vmem>>
      %dma_wait3A_182 = arith.constant 0 : i32
      %dma_wait3A_183 = arith.constant 0 : i32
      %dma_wait3A_184 = tpu.memref_slice %arg2[%dma_wait3A_182, %dma_wait3A_183] : memref<10016x128xf32, #tpu.memory_space<hbm>> -> memref<128x128xf32, #tpu.memory_space<hbm>>
      %dma_wait3A_185 = arith.constant 0 : i32
      %dma_wait3A_186 = arith.constant 0 : i32
      %dma_wait3A_187 = tpu.memref_slice %arg9[%dma_wait3A_177, %dma_wait3A_185, %dma_wait3A_186] : memref<2x128x128xf32, #tpu.memory_space<vmem>> -> memref<1x128x128xf32, #tpu.memory_space<vmem>>
      %dma_wait3A_188 = tpu.memref_squeeze %dma_wait3A_187 : memref<1x128x128xf32, #tpu.memory_space<vmem>> -> memref<128x128xf32, #tpu.memory_space<vmem>>
      %dma_wait3A_189 = arith.constant 0 : i32
      %dma_wait3A_190 = arith.constant 0 : i32
      %dma_wait3A_191 = tpu.memref_slice %arg2[%dma_wait3A_189, %dma_wait3A_190] : memref<10016x128xf32, #tpu.memory_space<hbm>> -> memref<128x128xf32, #tpu.memory_space<hbm>>
      tpu.wait_dma2 semaphore(%arg12 : memref<!tpu.dma_semaphore, #tpu.memory_space<semaphore_mem>>) src(%dma_wait3A_191 : memref<128x128xf32, #tpu.memory_space<hbm>>) dst(%dma_wait3A_188 : memref<128x128xf32, #tpu.memory_space<vmem>>)
      %add3A_192 = arith.constant 2 : i32
      %add3A_193 = arith.addi %add3A_176, %add3A_192 : i32
      %lt3A_194 = arith.cmpi slt, %add3A_193, %select_n3A_28 : i32
      %convert_element_type3A_195 = arith.extui %lt3A_194 : i1 to i32
      %cond3A_196 = arith.constant 0 : i32
      %cond3A_197 = arith.cmpi ne, %convert_element_type3A_195, %cond3A_196 : i32
      scf.if %cond3A_197 {
        %add3A_199 = arith.constant 2 : i32
        %add3A_200 = arith.addi %add3A_176, %add3A_199 : i32
        %dma_start3A_201 = arith.constant 1 : i32
        %dma_start3A_202 = arith.constant 0 : i32
        %dma_start3A_203 = arith.constant 0 : i32
        %dma_start3A_204 = tpu.memref_slice %arg9[%dma_start3A_201, %dma_start3A_202, %dma_start3A_203] : memref<2x128x128xf32, #tpu.memory_space<vmem>> -> memref<1x128x128xf32, #tpu.memory_space<vmem>>
        %dma_start3A_205 = tpu.memref_squeeze %dma_start3A_204 : memref<1x128x128xf32, #tpu.memory_space<vmem>> -> memref<128x128xf32, #tpu.memory_space<vmem>>
        %dma_start3A_206 = arith.constant 0 : i32
        %dma_start3A_207 = tpu.memref_slice %arg7[%add3A_200, %dma_start3A_206] : memref<56x128xi32, #tpu.memory_space<vmem>> -> memref<1x128xi32, #tpu.memory_space<vmem>>
        %dma_start3A_208 = tpu.memref_squeeze %dma_start3A_207 : memref<1x128xi32, #tpu.memory_space<vmem>> -> memref<128xi32, #tpu.memory_space<vmem>>
        %dma_start3A_209 = arith.constant 0 : i32
        %dma_start3A_210 = arith.constant 0 : i32
        %dma_start3A_211 = tpu.memref_slice %arg2[%dma_start3A_209, %dma_start3A_210] : memref<10016x128xf32, #tpu.memory_space<hbm>> -> memref<10016x128xf32, #tpu.memory_space<hbm>>
        tpu.enqueue_indirect_dma source(%dma_start3A_211 : memref<10016x128xf32, #tpu.memory_space<hbm>>) target(%dma_start3A_205 : memref<128x128xf32, #tpu.memory_space<vmem>>) offsets(%dma_start3A_208 : memref<128xi32, #tpu.memory_space<vmem>>) semaphore(%arg12 : memref<!tpu.dma_semaphore, #tpu.memory_space<semaphore_mem>>)
      } else {
      }
      %run_scoped3A_198 = arith.constant 1 : i32
      "tpu.region"() ({
        %run_scoped3A_199 = tpu.sem_alloc : memref<!tpu.dma_semaphore, #tpu.memory_space<semaphore_mem>>
        %dma_start3A_200 = arith.constant 0 : i32
        %dma_start3A_201 = arith.constant 0 : i32
        %dma_start3A_202 = tpu.memref_slice %arg9[%run_scoped3A_198, %dma_start3A_200, %dma_start3A_201] : memref<2x128x128xf32, #tpu.memory_space<vmem>> -> memref<1x128x128xf32, #tpu.memory_space<vmem>>
        %dma_start3A_203 = tpu.memref_squeeze %dma_start3A_202 : memref<1x128x128xf32, #tpu.memory_space<vmem>> -> memref<128x128xf32, #tpu.memory_space<vmem>>
        %dma_start3A_204 = arith.constant 0 : i32
        %dma_start3A_205 = tpu.memref_slice %arg8[%add3A_176, %dma_start3A_204] : memref<56x128xi32, #tpu.memory_space<vmem>> -> memref<1x128xi32, #tpu.memory_space<vmem>>
        %dma_start3A_206 = tpu.memref_squeeze %dma_start3A_205 : memref<1x128xi32, #tpu.memory_space<vmem>> -> memref<128xi32, #tpu.memory_space<vmem>>
        %dma_start3A_207 = arith.constant 0 : i32
        %dma_start3A_208 = arith.constant 0 : i32
        %dma_start3A_209 = tpu.memref_slice %arg10[%dma_start3A_207, %dma_start3A_208] : memref<10112x128xf32, #tpu.memory_space<vmem_shared>> -> memref<10112x128xf32, #tpu.memory_space<vmem_shared>>
        tpu.enqueue_indirect_dma source(%dma_start3A_203 : memref<128x128xf32, #tpu.memory_space<vmem>>) target(%dma_start3A_209 : memref<10112x128xf32, #tpu.memory_space<vmem_shared>>) offsets(%dma_start3A_206 : memref<128xi32, #tpu.memory_space<vmem>>) semaphore(%run_scoped3A_199 : memref<!tpu.dma_semaphore, #tpu.memory_space<semaphore_mem>>) {add = true}
        %dma_wait3A_210 = arith.constant 0 : i32
        %dma_wait3A_211 = arith.constant 0 : i32
        %dma_wait3A_212 = tpu.memref_slice %arg9[%run_scoped3A_198, %dma_wait3A_210, %dma_wait3A_211] : memref<2x128x128xf32, #tpu.memory_space<vmem>> -> memref<1x128x128xf32, #tpu.memory_space<vmem>>
        %dma_wait3A_213 = tpu.memref_squeeze %dma_wait3A_212 : memref<1x128x128xf32, #tpu.memory_space<vmem>> -> memref<128x128xf32, #tpu.memory_space<vmem>>
        %dma_wait3A_214 = arith.constant 0 : i32
        %dma_wait3A_215 = tpu.memref_slice %arg8[%add3A_176, %dma_wait3A_214] : memref<56x128xi32, #tpu.memory_space<vmem>> -> memref<1x128xi32, #tpu.memory_space<vmem>>
        %dma_wait3A_216 = tpu.memref_squeeze %dma_wait3A_215 : memref<1x128xi32, #tpu.memory_space<vmem>> -> memref<128xi32, #tpu.memory_space<vmem>>
        %dma_wait3A_217 = arith.constant 0 : i32
        %dma_wait3A_218 = arith.constant 0 : i32
        %dma_wait3A_219 = tpu.memref_slice %arg10[%dma_wait3A_217, %dma_wait3A_218] : memref<10112x128xf32, #tpu.memory_space<vmem_shared>> -> memref<10112x128xf32, #tpu.memory_space<vmem_shared>>
        tpu.wait_indirect_dma semaphore(%run_scoped3A_199 : memref<!tpu.dma_semaphore, #tpu.memory_space<semaphore_mem>>) src(%dma_wait3A_213 : memref<128x128xf32, #tpu.memory_space<vmem>>) dst(%dma_wait3A_219 : memref<10112x128xf32, #tpu.memory_space<vmem_shared>>)
        tpu.yield
      }) : () -> ()
    }
    %while3A_87 = arith.constant 1 : i32
    scf.for %while3A_151 = %while3A_85 to %while3A_81 step %while3A_87  : i32 {
      %mul3A_152 = arith.constant 2 : i32
      %mul3A_153 = arith.muli %mul3A_152, %while3A_151 : i32
      %add3A_154 = arith.constant 0 : i32
      %add3A_155 = arith.addi %mul3A_153, %add3A_154 : i32
      %dma_wait3A = arith.constant 0 : i32
      %dma_wait3A_156 = arith.constant 0 : i32
      %dma_wait3A_157 = arith.constant 0 : i32
      %dma_wait3A_158 = tpu.memref_slice %arg9[%dma_wait3A, %dma_wait3A_156, %dma_wait3A_157] : memref<2x128x128xf32, #tpu.memory_space<vmem>> -> memref<1x128x128xf32, #tpu.memory_space<vmem>>
      %dma_wait3A_159 = tpu.memref_squeeze %dma_wait3A_158 : memref<1x128x128xf32, #tpu.memory_space<vmem>> -> memref<128x128xf32, #tpu.memory_space<vmem>>
      %dma_wait3A_160 = arith.constant 0 : i32
      %dma_wait3A_161 = arith.constant 0 : i32
      %dma_wait3A_162 = tpu.memref_slice %arg2[%dma_wait3A_160, %dma_wait3A_161] : memref<10016x128xf32, #tpu.memory_space<hbm>> -> memref<128x128xf32, #tpu.memory_space<hbm>>
      %dma_wait3A_163 = arith.constant 0 : i32
      %dma_wait3A_164 = arith.constant 0 : i32
      %dma_wait3A_165 = tpu.memref_slice %arg9[%dma_wait3A, %dma_wait3A_163, %dma_wait3A_164] : memref<2x128x128xf32, #tpu.memory_space<vmem>> -> memref<1x128x128xf32, #tpu.memory_space<vmem>>
      %dma_wait3A_166 = tpu.memref_squeeze %dma_wait3A_165 : memref<1x128x128xf32, #tpu.memory_space<vmem>> -> memref<128x128xf32, #tpu.memory_space<vmem>>
      %dma_wait3A_167 = arith.constant 0 : i32
      %dma_wait3A_168 = arith.constant 0 : i32
      %dma_wait3A_169 = tpu.memref_slice %arg2[%dma_wait3A_167, %dma_wait3A_168] : memref<10016x128xf32, #tpu.memory_space<hbm>> -> memref<128x128xf32, #tpu.memory_space<hbm>>
      tpu.wait_dma2 semaphore(%arg11 : memref<!tpu.dma_semaphore, #tpu.memory_space<semaphore_mem>>) src(%dma_wait3A_169 : memref<128x128xf32, #tpu.memory_space<hbm>>) dst(%dma_wait3A_166 : memref<128x128xf32, #tpu.memory_space<vmem>>)
      %add3A_170 = arith.constant 2 : i32
      %add3A_171 = arith.addi %add3A_155, %add3A_170 : i32
      %lt3A = arith.cmpi slt, %add3A_171, %select_n3A_28 : i32
      %convert_element_type3A = arith.extui %lt3A : i1 to i32
      %cond3A = arith.constant 0 : i32
      %cond3A_172 = arith.cmpi ne, %convert_element_type3A, %cond3A : i32
      scf.if %cond3A_172 {
        %add3A_199 = arith.constant 2 : i32
        %add3A_200 = arith.addi %add3A_155, %add3A_199 : i32
        %dma_start3A_201 = arith.constant 0 : i32
        %dma_start3A_202 = arith.constant 0 : i32
        %dma_start3A_203 = arith.constant 0 : i32
        %dma_start3A_204 = tpu.memref_slice %arg9[%dma_start3A_201, %dma_start3A_202, %dma_start3A_203] : memref<2x128x128xf32, #tpu.memory_space<vmem>> -> memref<1x128x128xf32, #tpu.memory_space<vmem>>
        %dma_start3A_205 = tpu.memref_squeeze %dma_start3A_204 : memref<1x128x128xf32, #tpu.memory_space<vmem>> -> memref<128x128xf32, #tpu.memory_space<vmem>>
        %dma_start3A_206 = arith.constant 0 : i32
        %dma_start3A_207 = tpu.memref_slice %arg7[%add3A_200, %dma_start3A_206] : memref<56x128xi32, #tpu.memory_space<vmem>> -> memref<1x128xi32, #tpu.memory_space<vmem>>
        %dma_start3A_208 = tpu.memref_squeeze %dma_start3A_207 : memref<1x128xi32, #tpu.memory_space<vmem>> -> memref<128xi32, #tpu.memory_space<vmem>>
        %dma_start3A_209 = arith.constant 0 : i32
        %dma_start3A_210 = arith.constant 0 : i32
        %dma_start3A_211 = tpu.memref_slice %arg2[%dma_start3A_209, %dma_start3A_210] : memref<10016x128xf32, #tpu.memory_space<hbm>> -> memref<10016x128xf32, #tpu.memory_space<hbm>>
        tpu.enqueue_indirect_dma source(%dma_start3A_211 : memref<10016x128xf32, #tpu.memory_space<hbm>>) target(%dma_start3A_205 : memref<128x128xf32, #tpu.memory_space<vmem>>) offsets(%dma_start3A_208 : memref<128xi32, #tpu.memory_space<vmem>>) semaphore(%arg11 : memref<!tpu.dma_semaphore, #tpu.memory_space<semaphore_mem>>)
      } else {
      }
      %run_scoped3A = arith.constant 0 : i32
      "tpu.region"() ({
        %run_scoped3A_199 = tpu.sem_alloc : memref<!tpu.dma_semaphore, #tpu.memory_space<semaphore_mem>>
        %dma_start3A_200 = arith.constant 0 : i32
        %dma_start3A_201 = arith.constant 0 : i32
        %dma_start3A_202 = tpu.memref_slice %arg9[%run_scoped3A, %dma_start3A_200, %dma_start3A_201] : memref<2x128x128xf32, #tpu.memory_space<vmem>> -> memref<1x128x128xf32, #tpu.memory_space<vmem>>
        %dma_start3A_203 = tpu.memref_squeeze %dma_start3A_202 : memref<1x128x128xf32, #tpu.memory_space<vmem>> -> memref<128x128xf32, #tpu.memory_space<vmem>>
        %dma_start3A_204 = arith.constant 0 : i32
        %dma_start3A_205 = tpu.memref_slice %arg8[%add3A_155, %dma_start3A_204] : memref<56x128xi32, #tpu.memory_space<vmem>> -> memref<1x128xi32, #tpu.memory_space<vmem>>
        %dma_start3A_206 = tpu.memref_squeeze %dma_start3A_205 : memref<1x128xi32, #tpu.memory_space<vmem>> -> memref<128xi32, #tpu.memory_space<vmem>>
        %dma_start3A_207 = arith.constant 0 : i32
        %dma_start3A_208 = arith.constant 0 : i32
        %dma_start3A_209 = tpu.memref_slice %arg10[%dma_start3A_207, %dma_start3A_208] : memref<10112x128xf32, #tpu.memory_space<vmem_shared>> -> memref<10112x128xf32, #tpu.memory_space<vmem_shared>>
        tpu.enqueue_indirect_dma source(%dma_start3A_203 : memref<128x128xf32, #tpu.memory_space<vmem>>) target(%dma_start3A_209 : memref<10112x128xf32, #tpu.memory_space<vmem_shared>>) offsets(%dma_start3A_206 : memref<128xi32, #tpu.memory_space<vmem>>) semaphore(%run_scoped3A_199 : memref<!tpu.dma_semaphore, #tpu.memory_space<semaphore_mem>>) {add = true}
        %dma_wait3A_210 = arith.constant 0 : i32
        %dma_wait3A_211 = arith.constant 0 : i32
        %dma_wait3A_212 = tpu.memref_slice %arg9[%run_scoped3A, %dma_wait3A_210, %dma_wait3A_211] : memref<2x128x128xf32, #tpu.memory_space<vmem>> -> memref<1x128x128xf32, #tpu.memory_space<vmem>>
        %dma_wait3A_213 = tpu.memref_squeeze %dma_wait3A_212 : memref<1x128x128xf32, #tpu.memory_space<vmem>> -> memref<128x128xf32, #tpu.memory_space<vmem>>
        %dma_wait3A_214 = arith.constant 0 : i32
        %dma_wait3A_215 = tpu.memref_slice %arg8[%add3A_155, %dma_wait3A_214] : memref<56x128xi32, #tpu.memory_space<vmem>> -> memref<1x128xi32, #tpu.memory_space<vmem>>
        %dma_wait3A_216 = tpu.memref_squeeze %dma_wait3A_215 : memref<1x128xi32, #tpu.memory_space<vmem>> -> memref<128xi32, #tpu.memory_space<vmem>>
        %dma_wait3A_217 = arith.constant 0 : i32
        %dma_wait3A_218 = arith.constant 0 : i32
        %dma_wait3A_219 = tpu.memref_slice %arg10[%dma_wait3A_217, %dma_wait3A_218] : memref<10112x128xf32, #tpu.memory_space<vmem_shared>> -> memref<10112x128xf32, #tpu.memory_space<vmem_shared>>
        tpu.wait_indirect_dma semaphore(%run_scoped3A_199 : memref<!tpu.dma_semaphore, #tpu.memory_space<semaphore_mem>>) src(%dma_wait3A_213 : memref<128x128xf32, #tpu.memory_space<vmem>>) dst(%dma_wait3A_219 : memref<10112x128xf32, #tpu.memory_space<vmem_shared>>)
        tpu.yield
      }) : () -> ()
      %mul3A_173 = arith.constant 2 : i32
      %mul3A_174 = arith.muli %mul3A_173, %while3A_151 : i32
      %add3A_175 = arith.constant 1 : i32
      %add3A_176 = arith.addi %mul3A_174, %add3A_175 : i32
      %dma_wait3A_177 = arith.constant 1 : i32
      %dma_wait3A_178 = arith.constant 0 : i32
      %dma_wait3A_179 = arith.constant 0 : i32
      %dma_wait3A_180 = tpu.memref_slice %arg9[%dma_wait3A_177, %dma_wait3A_178, %dma_wait3A_179] : memref<2x128x128xf32, #tpu.memory_space<vmem>> -> memref<1x128x128xf32, #tpu.memory_space<vmem>>
      %dma_wait3A_181 = tpu.memref_squeeze %dma_wait3A_180 : memref<1x128x128xf32, #tpu.memory_space<vmem>> -> memref<128x128xf32, #tpu.memory_space<vmem>>
      %dma_wait3A_182 = arith.constant 0 : i32
      %dma_wait3A_183 = arith.constant 0 : i32
      %dma_wait3A_184 = tpu.memref_slice %arg2[%dma_wait3A_182, %dma_wait3A_183] : memref<10016x128xf32, #tpu.memory_space<hbm>> -> memref<128x128xf32, #tpu.memory_space<hbm>>
      %dma_wait3A_185 = arith.constant 0 : i32
      %dma_wait3A_186 = arith.constant 0 : i32
      %dma_wait3A_187 = tpu.memref_slice %arg9[%dma_wait3A_177, %dma_wait3A_185, %dma_wait3A_186] : memref<2x128x128xf32, #tpu.memory_space<vmem>> -> memref<1x128x128xf32, #tpu.memory_space<vmem>>
      %dma_wait3A_188 = tpu.memref_squeeze %dma_wait3A_187 : memref<1x128x128xf32, #tpu.memory_space<vmem>> -> memref<128x128xf32, #tpu.memory_space<vmem>>
      %dma_wait3A_189 = arith.constant 0 : i32
      %dma_wait3A_190 = arith.constant 0 : i32
      %dma_wait3A_191 = tpu.memref_slice %arg2[%dma_wait3A_189, %dma_wait3A_190] : memref<10016x128xf32, #tpu.memory_space<hbm>> -> memref<128x128xf32, #tpu.memory_space<hbm>>
      tpu.wait_dma2 semaphore(%arg12 : memref<!tpu.dma_semaphore, #tpu.memory_space<semaphore_mem>>) src(%dma_wait3A_191 : memref<128x128xf32, #tpu.memory_space<hbm>>) dst(%dma_wait3A_188 : memref<128x128xf32, #tpu.memory_space<vmem>>)
      %add3A_192 = arith.constant 2 : i32
      %add3A_193 = arith.addi %add3A_176, %add3A_192 : i32
      %lt3A_194 = arith.cmpi slt, %add3A_193, %select_n3A_28 : i32
      %convert_element_type3A_195 = arith.extui %lt3A_194 : i1 to i32
      %cond3A_196 = arith.constant 0 : i32
      %cond3A_197 = arith.cmpi ne, %convert_element_type3A_195, %cond3A_196 : i32
      scf.if %cond3A_197 {
        %add3A_199 = arith.constant 2 : i32
        %add3A_200 = arith.addi %add3A_176, %add3A_199 : i32
        %dma_start3A_201 = arith.constant 1 : i32
        %dma_start3A_202 = arith.constant 0 : i32
        %dma_start3A_203 = arith.constant 0 : i32
        %dma_start3A_204 = tpu.memref_slice %arg9[%dma_start3A_201, %dma_start3A_202, %dma_start3A_203] : memref<2x128x128xf32, #tpu.memory_space<vmem>> -> memref<1x128x128xf32, #tpu.memory_space<vmem>>
        %dma_start3A_205 = tpu.memref_squeeze %dma_start3A_204 : memref<1x128x128xf32, #tpu.memory_space<vmem>> -> memref<128x128xf32, #tpu.memory_space<vmem>>
        %dma_start3A_206 = arith.constant 0 : i32
        %dma_start3A_207 = tpu.memref_slice %arg7[%add3A_200, %dma_start3A_206] : memref<56x128xi32, #tpu.memory_space<vmem>> -> memref<1x128xi32, #tpu.memory_space<vmem>>
        %dma_start3A_208 = tpu.memref_squeeze %dma_start3A_207 : memref<1x128xi32, #tpu.memory_space<vmem>> -> memref<128xi32, #tpu.memory_space<vmem>>
        %dma_start3A_209 = arith.constant 0 : i32
        %dma_start3A_210 = arith.constant 0 : i32
        %dma_start3A_211 = tpu.memref_slice %arg2[%dma_start3A_209, %dma_start3A_210] : memref<10016x128xf32, #tpu.memory_space<hbm>> -> memref<10016x128xf32, #tpu.memory_space<hbm>>
        tpu.enqueue_indirect_dma source(%dma_start3A_211 : memref<10016x128xf32, #tpu.memory_space<hbm>>) target(%dma_start3A_205 : memref<128x128xf32, #tpu.memory_space<vmem>>) offsets(%dma_start3A_208 : memref<128xi32, #tpu.memory_space<vmem>>) semaphore(%arg12 : memref<!tpu.dma_semaphore, #tpu.memory_space<semaphore_mem>>)
      } else {
      }
      %run_scoped3A_198 = arith.constant 1 : i32
      "tpu.region"() ({
        %run_scoped3A_199 = tpu.sem_alloc : memref<!tpu.dma_semaphore, #tpu.memory_space<semaphore_mem>>
        %dma_start3A_200 = arith.constant 0 : i32
        %dma_start3A_201 = arith.constant 0 : i32
        %dma_start3A_202 = tpu.memref_slice %arg9[%run_scoped3A_198, %dma_start3A_200, %dma_start3A_201] : memref<2x128x128xf32, #tpu.memory_space<vmem>> -> memref<1x128x128xf32, #tpu.memory_space<vmem>>
        %dma_start3A_203 = tpu.memref_squeeze %dma_start3A_202 : memref<1x128x128xf32, #tpu.memory_space<vmem>> -> memref<128x128xf32, #tpu.memory_space<vmem>>
        %dma_start3A_204 = arith.constant 0 : i32
        %dma_start3A_205 = tpu.memref_slice %arg8[%add3A_176, %dma_start3A_204] : memref<56x128xi32, #tpu.memory_space<vmem>> -> memref<1x128xi32, #tpu.memory_space<vmem>>
        %dma_start3A_206 = tpu.memref_squeeze %dma_start3A_205 : memref<1x128xi32, #tpu.memory_space<vmem>> -> memref<128xi32, #tpu.memory_space<vmem>>
        %dma_start3A_207 = arith.constant 0 : i32
        %dma_start3A_208 = arith.constant 0 : i32
        %dma_start3A_209 = tpu.memref_slice %arg10[%dma_start3A_207, %dma_start3A_208] : memref<10112x128xf32, #tpu.memory_space<vmem_shared>> -> memref<10112x128xf32, #tpu.memory_space<vmem_shared>>
        tpu.enqueue_indirect_dma source(%dma_start3A_203 : memref<128x128xf32, #tpu.memory_space<vmem>>) target(%dma_start3A_209 : memref<10112x128xf32, #tpu.memory_space<vmem_shared>>) offsets(%dma_start3A_206 : memref<128xi32, #tpu.memory_space<vmem>>) semaphore(%run_scoped3A_199 : memref<!tpu.dma_semaphore, #tpu.memory_space<semaphore_mem>>) {add = true}
        %dma_wait3A_210 = arith.constant 0 : i32
        %dma_wait3A_211 = arith.constant 0 : i32
        %dma_wait3A_212 = tpu.memref_slice %arg9[%run_scoped3A_198, %dma_wait3A_210, %dma_wait3A_211] : memref<2x128x128xf32, #tpu.memory_space<vmem>> -> memref<1x128x128xf32, #tpu.memory_space<vmem>>
        %dma_wait3A_213 = tpu.memref_squeeze %dma_wait3A_212 : memref<1x128x128xf32, #tpu.memory_space<vmem>> -> memref<128x128xf32, #tpu.memory_space<vmem>>
        %dma_wait3A_214 = arith.constant 0 : i32
        %dma_wait3A_215 = tpu.memref_slice %arg8[%add3A_176, %dma_wait3A_214] : memref<56x128xi32, #tpu.memory_space<vmem>> -> memref<1x128xi32, #tpu.memory_space<vmem>>
        %dma_wait3A_216 = tpu.memref_squeeze %dma_wait3A_215 : memref<1x128xi32, #tpu.memory_space<vmem>> -> memref<128xi32, #tpu.memory_space<vmem>>
        %dma_wait3A_217 = arith.constant 0 : i32
        %dma_wait3A_218 = arith.constant 0 : i32
        %dma_wait3A_219 = tpu.memref_slice %arg10[%dma_wait3A_217, %dma_wait3A_218] : memref<10112x128xf32, #tpu.memory_space<vmem_shared>> -> memref<10112x128xf32, #tpu.memory_space<vmem_shared>>
        tpu.wait_indirect_dma semaphore(%run_scoped3A_199 : memref<!tpu.dma_semaphore, #tpu.memory_space<semaphore_mem>>) src(%dma_wait3A_213 : memref<128x128xf32, #tpu.memory_space<vmem>>) dst(%dma_wait3A_219 : memref<10112x128xf32, #tpu.memory_space<vmem_shared>>)
        tpu.yield
      }) : () -> ()
    }
    %mul3A_88 = arith.constant 1 : i32
    %mul3A_89 = arith.muli %mul3A_88, %select_n3A_28 : i32
    %add3A_90 = arith.addi %select_n3A, %mul3A_89 : i32
    %multiple_of3A_91 = tpu.assume_multiple %add3A_90, 8 : i32
    "tpu.region"() ({
      %run_scoped3A = tpu.sem_alloc : memref<!tpu.dma_semaphore, #tpu.memory_space<semaphore_mem>>
      %dma_start3A_151 = arith.constant 0 : i32
      %dma_start3A_152 = tpu.memref_slice %arg3[%multiple_of3A_91, %dma_start3A_151] : memref<2616x128xi32, #tpu.memory_space<hbm>> -> memref<56x128xi32, #tpu.memory_space<hbm>>
      %dma_start3A_153 = arith.constant 0 : i32
      %dma_start3A_154 = tpu.memref_slice %arg3[%multiple_of3A_91, %dma_start3A_153] : memref<2616x128xi32, #tpu.memory_space<hbm>> -> memref<56x128xi32, #tpu.memory_space<hbm>>
      tpu.enqueue_dma source(%dma_start3A_154 : memref<56x128xi32, #tpu.memory_space<hbm>>) target(%arg7 : memref<56x128xi32, #tpu.memory_space<vmem>>) target_semaphore(%run_scoped3A : memref<!tpu.dma_semaphore, #tpu.memory_space<semaphore_mem>>)
      %dma_wait3A = arith.constant 0 : i32
      %dma_wait3A_155 = tpu.memref_slice %arg3[%multiple_of3A_91, %dma_wait3A] : memref<2616x128xi32, #tpu.memory_space<hbm>> -> memref<56x128xi32, #tpu.memory_space<hbm>>
      %dma_wait3A_156 = arith.constant 0 : i32
      %dma_wait3A_157 = tpu.memref_slice %arg3[%multiple_of3A_91, %dma_wait3A_156] : memref<2616x128xi32, #tpu.memory_space<hbm>> -> memref<56x128xi32, #tpu.memory_space<hbm>>
      tpu.wait_dma2 semaphore(%run_scoped3A : memref<!tpu.dma_semaphore, #tpu.memory_space<semaphore_mem>>) src(%dma_wait3A_157 : memref<56x128xi32, #tpu.memory_space<hbm>>) dst(%arg7 : memref<56x128xi32, #tpu.memory_space<vmem>>)
      tpu.yield
    }) : () -> ()
    "tpu.region"() ({
      %run_scoped3A = tpu.sem_alloc : memref<!tpu.dma_semaphore, #tpu.memory_space<semaphore_mem>>
      %dma_start3A_151 = arith.constant 0 : i32
      %dma_start3A_152 = tpu.memref_slice %arg4[%multiple_of3A_91, %dma_start3A_151] : memref<2616x128xi32, #tpu.memory_space<hbm>> -> memref<56x128xi32, #tpu.memory_space<hbm>>
      %dma_start3A_153 = arith.constant 0 : i32
      %dma_start3A_154 = tpu.memref_slice %arg4[%multiple_of3A_91, %dma_start3A_153] : memref<2616x128xi32, #tpu.memory_space<hbm>> -> memref<56x128xi32, #tpu.memory_space<hbm>>
      tpu.enqueue_dma source(%dma_start3A_154 : memref<56x128xi32, #tpu.memory_space<hbm>>) target(%arg8 : memref<56x128xi32, #tpu.memory_space<vmem>>) target_semaphore(%run_scoped3A : memref<!tpu.dma_semaphore, #tpu.memory_space<semaphore_mem>>)
      %dma_wait3A = arith.constant 0 : i32
      %dma_wait3A_155 = tpu.memref_slice %arg4[%multiple_of3A_91, %dma_wait3A] : memref<2616x128xi32, #tpu.memory_space<hbm>> -> memref<56x128xi32, #tpu.memory_space<hbm>>
      %dma_wait3A_156 = arith.constant 0 : i32
      %dma_wait3A_157 = tpu.memref_slice %arg4[%multiple_of3A_91, %dma_wait3A_156] : memref<2616x128xi32, #tpu.memory_space<hbm>> -> memref<56x128xi32, #tpu.memory_space<hbm>>
      tpu.wait_dma2 semaphore(%run_scoped3A : memref<!tpu.dma_semaphore, #tpu.memory_space<semaphore_mem>>) src(%dma_wait3A_157 : memref<56x128xi32, #tpu.memory_space<hbm>>) dst(%arg8 : memref<56x128xi32, #tpu.memory_space<vmem>>)
      tpu.yield
    }) : () -> ()
    %dma_start3A_92 = arith.constant 0 : i32
    %dma_start3A_93 = arith.constant 0 : i32
    %dma_start3A_94 = arith.constant 0 : i32
    %dma_start3A_95 = arith.constant 0 : i32
    %dma_start3A_96 = tpu.memref_slice %arg9[%dma_start3A_93, %dma_start3A_94, %dma_start3A_95] : memref<2x128x128xf32, #tpu.memory_space<vmem>> -> memref<1x128x128xf32, #tpu.memory_space<vmem>>
    %dma_start3A_97 = tpu.memref_squeeze %dma_start3A_96 : memref<1x128x128xf32, #tpu.memory_space<vmem>> -> memref<128x128xf32, #tpu.memory_space<vmem>>
    %dma_start3A_98 = arith.constant 0 : i32
    %dma_start3A_99 = tpu.memref_slice %arg7[%dma_start3A_92, %dma_start3A_98] : memref<56x128xi32, #tpu.memory_space<vmem>> -> memref<1x128xi32, #tpu.memory_space<vmem>>
    %dma_start3A_100 = tpu.memref_squeeze %dma_start3A_99 : memref<1x128xi32, #tpu.memory_space<vmem>> -> memref<128xi32, #tpu.memory_space<vmem>>
    %dma_start3A_101 = arith.constant 0 : i32
    %dma_start3A_102 = arith.constant 0 : i32
    %dma_start3A_103 = tpu.memref_slice %arg2[%dma_start3A_101, %dma_start3A_102] : memref<10016x128xf32, #tpu.memory_space<hbm>> -> memref<10016x128xf32, #tpu.memory_space<hbm>>
    tpu.enqueue_indirect_dma source(%dma_start3A_103 : memref<10016x128xf32, #tpu.memory_space<hbm>>) target(%dma_start3A_97 : memref<128x128xf32, #tpu.memory_space<vmem>>) offsets(%dma_start3A_100 : memref<128xi32, #tpu.memory_space<vmem>>) semaphore(%arg11 : memref<!tpu.dma_semaphore, #tpu.memory_space<semaphore_mem>>)
    %dma_start3A_104 = arith.constant 1 : i32
    %dma_start3A_105 = arith.constant 1 : i32
    %dma_start3A_106 = arith.constant 0 : i32
    %dma_start3A_107 = arith.constant 0 : i32
    %dma_start3A_108 = tpu.memref_slice %arg9[%dma_start3A_105, %dma_start3A_106, %dma_start3A_107] : memref<2x128x128xf32, #tpu.memory_space<vmem>> -> memref<1x128x128xf32, #tpu.memory_space<vmem>>
    %dma_start3A_109 = tpu.memref_squeeze %dma_start3A_108 : memref<1x128x128xf32, #tpu.memory_space<vmem>> -> memref<128x128xf32, #tpu.memory_space<vmem>>
    %dma_start3A_110 = arith.constant 0 : i32
    %dma_start3A_111 = tpu.memref_slice %arg7[%dma_start3A_104, %dma_start3A_110] : memref<56x128xi32, #tpu.memory_space<vmem>> -> memref<1x128xi32, #tpu.memory_space<vmem>>
    %dma_start3A_112 = tpu.memref_squeeze %dma_start3A_111 : memref<1x128xi32, #tpu.memory_space<vmem>> -> memref<128xi32, #tpu.memory_space<vmem>>
    %dma_start3A_113 = arith.constant 0 : i32
    %dma_start3A_114 = arith.constant 0 : i32
    %dma_start3A_115 = tpu.memref_slice %arg2[%dma_start3A_113, %dma_start3A_114] : memref<10016x128xf32, #tpu.memory_space<hbm>> -> memref<10016x128xf32, #tpu.memory_space<hbm>>
    tpu.enqueue_indirect_dma source(%dma_start3A_115 : memref<10016x128xf32, #tpu.memory_space<hbm>>) target(%dma_start3A_109 : memref<128x128xf32, #tpu.memory_space<vmem>>) offsets(%dma_start3A_112 : memref<128xi32, #tpu.memory_space<vmem>>) semaphore(%arg12 : memref<!tpu.dma_semaphore, #tpu.memory_space<semaphore_mem>>)
    %jit3A_116 = arith.constant 2 : i32
    %div3A_117 = arith.divsi %select_n3A_28, %jit3A_116 : i32
    %sign3A_118 = arith.constant 0 : i32
    %sign3A_119 = arith.cmpi sgt, %select_n3A_28, %sign3A_118 : i32
    %sign3A_120 = arith.extui %sign3A_119 : i1 to i32
    %sign3A_121 = arith.constant 0 : i32
    %sign3A_122 = arith.cmpi slt, %select_n3A_28, %sign3A_121 : i32
    %sign3A_123 = arith.extui %sign3A_122 : i1 to i32
    %sign3A_124 = arith.subi %sign3A_120, %sign3A_123 : i32
    %sign3A_125 = arith.constant 0 : i32
    %sign3A_126 = arith.cmpi sgt, %jit3A_116, %sign3A_125 : i32
    %sign3A_127 = arith.extui %sign3A_126 : i1 to i32
    %sign3A_128 = arith.constant 0 : i32
    %sign3A_129 = arith.cmpi slt, %jit3A_116, %sign3A_128 : i32
    %sign3A_130 = arith.extui %sign3A_129 : i1 to i32
    %sign3A_131 = arith.subi %sign3A_127, %sign3A_130 : i32
    %ne3A_132 = arith.cmpi ne, %sign3A_124, %sign3A_131 : i32
    %rem3A_133 = arith.remsi %select_n3A_28, %jit3A_116 : i32
    %ne3A_134 = arith.constant 0 : i32
    %ne3A_135 = arith.cmpi ne, %rem3A_133, %ne3A_134 : i32
    %and3A_136 = arith.andi %ne3A_132, %ne3A_135 : i1
    %sub3A_137 = arith.constant 1 : i32
    %sub3A_138 = arith.subi %div3A_117, %sub3A_137 : i32
    %select_n3A_139 = arith.select %and3A_136, %sub3A_138, %div3A_117 : i32
    %while3A_140 = arith.constant 0 : i32
    %while3A_141 = arith.constant 0 : i32
    %while3A_142 = arith.subi %select_n3A_139, %while3A_141 : i32
    %while3A_143 = arith.addi %while3A_141, %while3A_142 : i32
    %while3A_144 = arith.constant 1 : i32
    %while3A_145 = arith.divsi %while3A_142, %while3A_144 : i32
    %while3A_146 = arith.muli %while3A_145, %while3A_144 : i32
    %while3A_147 = arith.addi %while3A_141, %while3A_146 : i32
    %while3A_148 = arith.constant 1 : i32
    scf.for %while3A_151 = %while3A_141 to %while3A_147 step %while3A_148  : i32 {
      %mul3A_152 = arith.constant 2 : i32
      %mul3A_153 = arith.muli %mul3A_152, %while3A_151 : i32
      %add3A_154 = arith.constant 0 : i32
      %add3A_155 = arith.addi %mul3A_153, %add3A_154 : i32
      %dma_wait3A = arith.constant 0 : i32
      %dma_wait3A_156 = arith.constant 0 : i32
      %dma_wait3A_157 = arith.constant 0 : i32
      %dma_wait3A_158 = tpu.memref_slice %arg9[%dma_wait3A, %dma_wait3A_156, %dma_wait3A_157] : memref<2x128x128xf32, #tpu.memory_space<vmem>> -> memref<1x128x128xf32, #tpu.memory_space<vmem>>
      %dma_wait3A_159 = tpu.memref_squeeze %dma_wait3A_158 : memref<1x128x128xf32, #tpu.memory_space<vmem>> -> memref<128x128xf32, #tpu.memory_space<vmem>>
      %dma_wait3A_160 = arith.constant 0 : i32
      %dma_wait3A_161 = arith.constant 0 : i32
      %dma_wait3A_162 = tpu.memref_slice %arg2[%dma_wait3A_160, %dma_wait3A_161] : memref<10016x128xf32, #tpu.memory_space<hbm>> -> memref<128x128xf32, #tpu.memory_space<hbm>>
      %dma_wait3A_163 = arith.constant 0 : i32
      %dma_wait3A_164 = arith.constant 0 : i32
      %dma_wait3A_165 = tpu.memref_slice %arg9[%dma_wait3A, %dma_wait3A_163, %dma_wait3A_164] : memref<2x128x128xf32, #tpu.memory_space<vmem>> -> memref<1x128x128xf32, #tpu.memory_space<vmem>>
      %dma_wait3A_166 = tpu.memref_squeeze %dma_wait3A_165 : memref<1x128x128xf32, #tpu.memory_space<vmem>> -> memref<128x128xf32, #tpu.memory_space<vmem>>
      %dma_wait3A_167 = arith.constant 0 : i32
      %dma_wait3A_168 = arith.constant 0 : i32
      %dma_wait3A_169 = tpu.memref_slice %arg2[%dma_wait3A_167, %dma_wait3A_168] : memref<10016x128xf32, #tpu.memory_space<hbm>> -> memref<128x128xf32, #tpu.memory_space<hbm>>
      tpu.wait_dma2 semaphore(%arg11 : memref<!tpu.dma_semaphore, #tpu.memory_space<semaphore_mem>>) src(%dma_wait3A_169 : memref<128x128xf32, #tpu.memory_space<hbm>>) dst(%dma_wait3A_166 : memref<128x128xf32, #tpu.memory_space<vmem>>)
      %add3A_170 = arith.constant 2 : i32
      %add3A_171 = arith.addi %add3A_155, %add3A_170 : i32
      %lt3A = arith.cmpi slt, %add3A_171, %select_n3A_28 : i32
      %convert_element_type3A = arith.extui %lt3A : i1 to i32
      %cond3A = arith.constant 0 : i32
      %cond3A_172 = arith.cmpi ne, %convert_element_type3A, %cond3A : i32
      scf.if %cond3A_172 {
        %add3A_199 = arith.constant 2 : i32
        %add3A_200 = arith.addi %add3A_155, %add3A_199 : i32
        %dma_start3A_201 = arith.constant 0 : i32
        %dma_start3A_202 = arith.constant 0 : i32
        %dma_start3A_203 = arith.constant 0 : i32
        %dma_start3A_204 = tpu.memref_slice %arg9[%dma_start3A_201, %dma_start3A_202, %dma_start3A_203] : memref<2x128x128xf32, #tpu.memory_space<vmem>> -> memref<1x128x128xf32, #tpu.memory_space<vmem>>
        %dma_start3A_205 = tpu.memref_squeeze %dma_start3A_204 : memref<1x128x128xf32, #tpu.memory_space<vmem>> -> memref<128x128xf32, #tpu.memory_space<vmem>>
        %dma_start3A_206 = arith.constant 0 : i32
        %dma_start3A_207 = tpu.memref_slice %arg7[%add3A_200, %dma_start3A_206] : memref<56x128xi32, #tpu.memory_space<vmem>> -> memref<1x128xi32, #tpu.memory_space<vmem>>
        %dma_start3A_208 = tpu.memref_squeeze %dma_start3A_207 : memref<1x128xi32, #tpu.memory_space<vmem>> -> memref<128xi32, #tpu.memory_space<vmem>>
        %dma_start3A_209 = arith.constant 0 : i32
        %dma_start3A_210 = arith.constant 0 : i32
        %dma_start3A_211 = tpu.memref_slice %arg2[%dma_start3A_209, %dma_start3A_210] : memref<10016x128xf32, #tpu.memory_space<hbm>> -> memref<10016x128xf32, #tpu.memory_space<hbm>>
        tpu.enqueue_indirect_dma source(%dma_start3A_211 : memref<10016x128xf32, #tpu.memory_space<hbm>>) target(%dma_start3A_205 : memref<128x128xf32, #tpu.memory_space<vmem>>) offsets(%dma_start3A_208 : memref<128xi32, #tpu.memory_space<vmem>>) semaphore(%arg11 : memref<!tpu.dma_semaphore, #tpu.memory_space<semaphore_mem>>)
      } else {
      }
      %run_scoped3A = arith.constant 0 : i32
      "tpu.region"() ({
        %run_scoped3A_199 = tpu.sem_alloc : memref<!tpu.dma_semaphore, #tpu.memory_space<semaphore_mem>>
        %dma_start3A_200 = arith.constant 0 : i32
        %dma_start3A_201 = arith.constant 0 : i32
        %dma_start3A_202 = tpu.memref_slice %arg9[%run_scoped3A, %dma_start3A_200, %dma_start3A_201] : memref<2x128x128xf32, #tpu.memory_space<vmem>> -> memref<1x128x128xf32, #tpu.memory_space<vmem>>
        %dma_start3A_203 = tpu.memref_squeeze %dma_start3A_202 : memref<1x128x128xf32, #tpu.memory_space<vmem>> -> memref<128x128xf32, #tpu.memory_space<vmem>>
        %dma_start3A_204 = arith.constant 0 : i32
        %dma_start3A_205 = tpu.memref_slice %arg8[%add3A_155, %dma_start3A_204] : memref<56x128xi32, #tpu.memory_space<vmem>> -> memref<1x128xi32, #tpu.memory_space<vmem>>
        %dma_start3A_206 = tpu.memref_squeeze %dma_start3A_205 : memref<1x128xi32, #tpu.memory_space<vmem>> -> memref<128xi32, #tpu.memory_space<vmem>>
        %dma_start3A_207 = arith.constant 0 : i32
        %dma_start3A_208 = arith.constant 0 : i32
        %dma_start3A_209 = tpu.memref_slice %arg10[%dma_start3A_207, %dma_start3A_208] : memref<10112x128xf32, #tpu.memory_space<vmem_shared>> -> memref<10112x128xf32, #tpu.memory_space<vmem_shared>>
        tpu.enqueue_indirect_dma source(%dma_start3A_203 : memref<128x128xf32, #tpu.memory_space<vmem>>) target(%dma_start3A_209 : memref<10112x128xf32, #tpu.memory_space<vmem_shared>>) offsets(%dma_start3A_206 : memref<128xi32, #tpu.memory_space<vmem>>) semaphore(%run_scoped3A_199 : memref<!tpu.dma_semaphore, #tpu.memory_space<semaphore_mem>>) {add = true}
        %dma_wait3A_210 = arith.constant 0 : i32
        %dma_wait3A_211 = arith.constant 0 : i32
        %dma_wait3A_212 = tpu.memref_slice %arg9[%run_scoped3A, %dma_wait3A_210, %dma_wait3A_211] : memref<2x128x128xf32, #tpu.memory_space<vmem>> -> memref<1x128x128xf32, #tpu.memory_space<vmem>>
        %dma_wait3A_213 = tpu.memref_squeeze %dma_wait3A_212 : memref<1x128x128xf32, #tpu.memory_space<vmem>> -> memref<128x128xf32, #tpu.memory_space<vmem>>
        %dma_wait3A_214 = arith.constant 0 : i32
        %dma_wait3A_215 = tpu.memref_slice %arg8[%add3A_155, %dma_wait3A_214] : memref<56x128xi32, #tpu.memory_space<vmem>> -> memref<1x128xi32, #tpu.memory_space<vmem>>
        %dma_wait3A_216 = tpu.memref_squeeze %dma_wait3A_215 : memref<1x128xi32, #tpu.memory_space<vmem>> -> memref<128xi32, #tpu.memory_space<vmem>>
        %dma_wait3A_217 = arith.constant 0 : i32
        %dma_wait3A_218 = arith.constant 0 : i32
        %dma_wait3A_219 = tpu.memref_slice %arg10[%dma_wait3A_217, %dma_wait3A_218] : memref<10112x128xf32, #tpu.memory_space<vmem_shared>> -> memref<10112x128xf32, #tpu.memory_space<vmem_shared>>
        tpu.wait_indirect_dma semaphore(%run_scoped3A_199 : memref<!tpu.dma_semaphore, #tpu.memory_space<semaphore_mem>>) src(%dma_wait3A_213 : memref<128x128xf32, #tpu.memory_space<vmem>>) dst(%dma_wait3A_219 : memref<10112x128xf32, #tpu.memory_space<vmem_shared>>)
        tpu.yield
      }) : () -> ()
      %mul3A_173 = arith.constant 2 : i32
      %mul3A_174 = arith.muli %mul3A_173, %while3A_151 : i32
      %add3A_175 = arith.constant 1 : i32
      %add3A_176 = arith.addi %mul3A_174, %add3A_175 : i32
      %dma_wait3A_177 = arith.constant 1 : i32
      %dma_wait3A_178 = arith.constant 0 : i32
      %dma_wait3A_179 = arith.constant 0 : i32
      %dma_wait3A_180 = tpu.memref_slice %arg9[%dma_wait3A_177, %dma_wait3A_178, %dma_wait3A_179] : memref<2x128x128xf32, #tpu.memory_space<vmem>> -> memref<1x128x128xf32, #tpu.memory_space<vmem>>
      %dma_wait3A_181 = tpu.memref_squeeze %dma_wait3A_180 : memref<1x128x128xf32, #tpu.memory_space<vmem>> -> memref<128x128xf32, #tpu.memory_space<vmem>>
      %dma_wait3A_182 = arith.constant 0 : i32
      %dma_wait3A_183 = arith.constant 0 : i32
      %dma_wait3A_184 = tpu.memref_slice %arg2[%dma_wait3A_182, %dma_wait3A_183] : memref<10016x128xf32, #tpu.memory_space<hbm>> -> memref<128x128xf32, #tpu.memory_space<hbm>>
      %dma_wait3A_185 = arith.constant 0 : i32
      %dma_wait3A_186 = arith.constant 0 : i32
      %dma_wait3A_187 = tpu.memref_slice %arg9[%dma_wait3A_177, %dma_wait3A_185, %dma_wait3A_186] : memref<2x128x128xf32, #tpu.memory_space<vmem>> -> memref<1x128x128xf32, #tpu.memory_space<vmem>>
      %dma_wait3A_188 = tpu.memref_squeeze %dma_wait3A_187 : memref<1x128x128xf32, #tpu.memory_space<vmem>> -> memref<128x128xf32, #tpu.memory_space<vmem>>
      %dma_wait3A_189 = arith.constant 0 : i32
      %dma_wait3A_190 = arith.constant 0 : i32
      %dma_wait3A_191 = tpu.memref_slice %arg2[%dma_wait3A_189, %dma_wait3A_190] : memref<10016x128xf32, #tpu.memory_space<hbm>> -> memref<128x128xf32, #tpu.memory_space<hbm>>
      tpu.wait_dma2 semaphore(%arg12 : memref<!tpu.dma_semaphore, #tpu.memory_space<semaphore_mem>>) src(%dma_wait3A_191 : memref<128x128xf32, #tpu.memory_space<hbm>>) dst(%dma_wait3A_188 : memref<128x128xf32, #tpu.memory_space<vmem>>)
      %add3A_192 = arith.constant 2 : i32
      %add3A_193 = arith.addi %add3A_176, %add3A_192 : i32
      %lt3A_194 = arith.cmpi slt, %add3A_193, %select_n3A_28 : i32
      %convert_element_type3A_195 = arith.extui %lt3A_194 : i1 to i32
      %cond3A_196 = arith.constant 0 : i32
      %cond3A_197 = arith.cmpi ne, %convert_element_type3A_195, %cond3A_196 : i32
      scf.if %cond3A_197 {
        %add3A_199 = arith.constant 2 : i32
        %add3A_200 = arith.addi %add3A_176, %add3A_199 : i32
        %dma_start3A_201 = arith.constant 1 : i32
        %dma_start3A_202 = arith.constant 0 : i32
        %dma_start3A_203 = arith.constant 0 : i32
        %dma_start3A_204 = tpu.memref_slice %arg9[%dma_start3A_201, %dma_start3A_202, %dma_start3A_203] : memref<2x128x128xf32, #tpu.memory_space<vmem>> -> memref<1x128x128xf32, #tpu.memory_space<vmem>>
        %dma_start3A_205 = tpu.memref_squeeze %dma_start3A_204 : memref<1x128x128xf32, #tpu.memory_space<vmem>> -> memref<128x128xf32, #tpu.memory_space<vmem>>
        %dma_start3A_206 = arith.constant 0 : i32
        %dma_start3A_207 = tpu.memref_slice %arg7[%add3A_200, %dma_start3A_206] : memref<56x128xi32, #tpu.memory_space<vmem>> -> memref<1x128xi32, #tpu.memory_space<vmem>>
        %dma_start3A_208 = tpu.memref_squeeze %dma_start3A_207 : memref<1x128xi32, #tpu.memory_space<vmem>> -> memref<128xi32, #tpu.memory_space<vmem>>
        %dma_start3A_209 = arith.constant 0 : i32
        %dma_start3A_210 = arith.constant 0 : i32
        %dma_start3A_211 = tpu.memref_slice %arg2[%dma_start3A_209, %dma_start3A_210] : memref<10016x128xf32, #tpu.memory_space<hbm>> -> memref<10016x128xf32, #tpu.memory_space<hbm>>
        tpu.enqueue_indirect_dma source(%dma_start3A_211 : memref<10016x128xf32, #tpu.memory_space<hbm>>) target(%dma_start3A_205 : memref<128x128xf32, #tpu.memory_space<vmem>>) offsets(%dma_start3A_208 : memref<128xi32, #tpu.memory_space<vmem>>) semaphore(%arg12 : memref<!tpu.dma_semaphore, #tpu.memory_space<semaphore_mem>>)
      } else {
      }
      %run_scoped3A_198 = arith.constant 1 : i32
      "tpu.region"() ({
        %run_scoped3A_199 = tpu.sem_alloc : memref<!tpu.dma_semaphore, #tpu.memory_space<semaphore_mem>>
        %dma_start3A_200 = arith.constant 0 : i32
        %dma_start3A_201 = arith.constant 0 : i32
        %dma_start3A_202 = tpu.memref_slice %arg9[%run_scoped3A_198, %dma_start3A_200, %dma_start3A_201] : memref<2x128x128xf32, #tpu.memory_space<vmem>> -> memref<1x128x128xf32, #tpu.memory_space<vmem>>
        %dma_start3A_203 = tpu.memref_squeeze %dma_start3A_202 : memref<1x128x128xf32, #tpu.memory_space<vmem>> -> memref<128x128xf32, #tpu.memory_space<vmem>>
        %dma_start3A_204 = arith.constant 0 : i32
        %dma_start3A_205 = tpu.memref_slice %arg8[%add3A_176, %dma_start3A_204] : memref<56x128xi32, #tpu.memory_space<vmem>> -> memref<1x128xi32, #tpu.memory_space<vmem>>
        %dma_start3A_206 = tpu.memref_squeeze %dma_start3A_205 : memref<1x128xi32, #tpu.memory_space<vmem>> -> memref<128xi32, #tpu.memory_space<vmem>>
        %dma_start3A_207 = arith.constant 0 : i32
        %dma_start3A_208 = arith.constant 0 : i32
        %dma_start3A_209 = tpu.memref_slice %arg10[%dma_start3A_207, %dma_start3A_208] : memref<10112x128xf32, #tpu.memory_space<vmem_shared>> -> memref<10112x128xf32, #tpu.memory_space<vmem_shared>>
        tpu.enqueue_indirect_dma source(%dma_start3A_203 : memref<128x128xf32, #tpu.memory_space<vmem>>) target(%dma_start3A_209 : memref<10112x128xf32, #tpu.memory_space<vmem_shared>>) offsets(%dma_start3A_206 : memref<128xi32, #tpu.memory_space<vmem>>) semaphore(%run_scoped3A_199 : memref<!tpu.dma_semaphore, #tpu.memory_space<semaphore_mem>>) {add = true}
        %dma_wait3A_210 = arith.constant 0 : i32
        %dma_wait3A_211 = arith.constant 0 : i32
        %dma_wait3A_212 = tpu.memref_slice %arg9[%run_scoped3A_198, %dma_wait3A_210, %dma_wait3A_211] : memref<2x128x128xf32, #tpu.memory_space<vmem>> -> memref<1x128x128xf32, #tpu.memory_space<vmem>>
        %dma_wait3A_213 = tpu.memref_squeeze %dma_wait3A_212 : memref<1x128x128xf32, #tpu.memory_space<vmem>> -> memref<128x128xf32, #tpu.memory_space<vmem>>
        %dma_wait3A_214 = arith.constant 0 : i32
        %dma_wait3A_215 = tpu.memref_slice %arg8[%add3A_176, %dma_wait3A_214] : memref<56x128xi32, #tpu.memory_space<vmem>> -> memref<1x128xi32, #tpu.memory_space<vmem>>
        %dma_wait3A_216 = tpu.memref_squeeze %dma_wait3A_215 : memref<1x128xi32, #tpu.memory_space<vmem>> -> memref<128xi32, #tpu.memory_space<vmem>>
        %dma_wait3A_217 = arith.constant 0 : i32
        %dma_wait3A_218 = arith.constant 0 : i32
        %dma_wait3A_219 = tpu.memref_slice %arg10[%dma_wait3A_217, %dma_wait3A_218] : memref<10112x128xf32, #tpu.memory_space<vmem_shared>> -> memref<10112x128xf32, #tpu.memory_space<vmem_shared>>
        tpu.wait_indirect_dma semaphore(%run_scoped3A_199 : memref<!tpu.dma_semaphore, #tpu.memory_space<semaphore_mem>>) src(%dma_wait3A_213 : memref<128x128xf32, #tpu.memory_space<vmem>>) dst(%dma_wait3A_219 : memref<10112x128xf32, #tpu.memory_space<vmem_shared>>)
        tpu.yield
      }) : () -> ()
    }
    %while3A_149 = arith.constant 1 : i32
    scf.for %while3A_151 = %while3A_147 to %while3A_143 step %while3A_149  : i32 {
      %mul3A_152 = arith.constant 2 : i32
      %mul3A_153 = arith.muli %mul3A_152, %while3A_151 : i32
      %add3A_154 = arith.constant 0 : i32
      %add3A_155 = arith.addi %mul3A_153, %add3A_154 : i32
      %dma_wait3A = arith.constant 0 : i32
      %dma_wait3A_156 = arith.constant 0 : i32
      %dma_wait3A_157 = arith.constant 0 : i32
      %dma_wait3A_158 = tpu.memref_slice %arg9[%dma_wait3A, %dma_wait3A_156, %dma_wait3A_157] : memref<2x128x128xf32, #tpu.memory_space<vmem>> -> memref<1x128x128xf32, #tpu.memory_space<vmem>>
      %dma_wait3A_159 = tpu.memref_squeeze %dma_wait3A_158 : memref<1x128x128xf32, #tpu.memory_space<vmem>> -> memref<128x128xf32, #tpu.memory_space<vmem>>
      %dma_wait3A_160 = arith.constant 0 : i32
      %dma_wait3A_161 = arith.constant 0 : i32
      %dma_wait3A_162 = tpu.memref_slice %arg2[%dma_wait3A_160, %dma_wait3A_161] : memref<10016x128xf32, #tpu.memory_space<hbm>> -> memref<128x128xf32, #tpu.memory_space<hbm>>
      %dma_wait3A_163 = arith.constant 0 : i32
      %dma_wait3A_164 = arith.constant 0 : i32
      %dma_wait3A_165 = tpu.memref_slice %arg9[%dma_wait3A, %dma_wait3A_163, %dma_wait3A_164] : memref<2x128x128xf32, #tpu.memory_space<vmem>> -> memref<1x128x128xf32, #tpu.memory_space<vmem>>
      %dma_wait3A_166 = tpu.memref_squeeze %dma_wait3A_165 : memref<1x128x128xf32, #tpu.memory_space<vmem>> -> memref<128x128xf32, #tpu.memory_space<vmem>>
      %dma_wait3A_167 = arith.constant 0 : i32
      %dma_wait3A_168 = arith.constant 0 : i32
      %dma_wait3A_169 = tpu.memref_slice %arg2[%dma_wait3A_167, %dma_wait3A_168] : memref<10016x128xf32, #tpu.memory_space<hbm>> -> memref<128x128xf32, #tpu.memory_space<hbm>>
      tpu.wait_dma2 semaphore(%arg11 : memref<!tpu.dma_semaphore, #tpu.memory_space<semaphore_mem>>) src(%dma_wait3A_169 : memref<128x128xf32, #tpu.memory_space<hbm>>) dst(%dma_wait3A_166 : memref<128x128xf32, #tpu.memory_space<vmem>>)
      %add3A_170 = arith.constant 2 : i32
      %add3A_171 = arith.addi %add3A_155, %add3A_170 : i32
      %lt3A = arith.cmpi slt, %add3A_171, %select_n3A_28 : i32
      %convert_element_type3A = arith.extui %lt3A : i1 to i32
      %cond3A = arith.constant 0 : i32
      %cond3A_172 = arith.cmpi ne, %convert_element_type3A, %cond3A : i32
      scf.if %cond3A_172 {
        %add3A_199 = arith.constant 2 : i32
        %add3A_200 = arith.addi %add3A_155, %add3A_199 : i32
        %dma_start3A_201 = arith.constant 0 : i32
        %dma_start3A_202 = arith.constant 0 : i32
        %dma_start3A_203 = arith.constant 0 : i32
        %dma_start3A_204 = tpu.memref_slice %arg9[%dma_start3A_201, %dma_start3A_202, %dma_start3A_203] : memref<2x128x128xf32, #tpu.memory_space<vmem>> -> memref<1x128x128xf32, #tpu.memory_space<vmem>>
        %dma_start3A_205 = tpu.memref_squeeze %dma_start3A_204 : memref<1x128x128xf32, #tpu.memory_space<vmem>> -> memref<128x128xf32, #tpu.memory_space<vmem>>
        %dma_start3A_206 = arith.constant 0 : i32
        %dma_start3A_207 = tpu.memref_slice %arg7[%add3A_200, %dma_start3A_206] : memref<56x128xi32, #tpu.memory_space<vmem>> -> memref<1x128xi32, #tpu.memory_space<vmem>>
        %dma_start3A_208 = tpu.memref_squeeze %dma_start3A_207 : memref<1x128xi32, #tpu.memory_space<vmem>> -> memref<128xi32, #tpu.memory_space<vmem>>
        %dma_start3A_209 = arith.constant 0 : i32
        %dma_start3A_210 = arith.constant 0 : i32
        %dma_start3A_211 = tpu.memref_slice %arg2[%dma_start3A_209, %dma_start3A_210] : memref<10016x128xf32, #tpu.memory_space<hbm>> -> memref<10016x128xf32, #tpu.memory_space<hbm>>
        tpu.enqueue_indirect_dma source(%dma_start3A_211 : memref<10016x128xf32, #tpu.memory_space<hbm>>) target(%dma_start3A_205 : memref<128x128xf32, #tpu.memory_space<vmem>>) offsets(%dma_start3A_208 : memref<128xi32, #tpu.memory_space<vmem>>) semaphore(%arg11 : memref<!tpu.dma_semaphore, #tpu.memory_space<semaphore_mem>>)
      } else {
      }
      %run_scoped3A = arith.constant 0 : i32
      "tpu.region"() ({
        %run_scoped3A_199 = tpu.sem_alloc : memref<!tpu.dma_semaphore, #tpu.memory_space<semaphore_mem>>
        %dma_start3A_200 = arith.constant 0 : i32
        %dma_start3A_201 = arith.constant 0 : i32
        %dma_start3A_202 = tpu.memref_slice %arg9[%run_scoped3A, %dma_start3A_200, %dma_start3A_201] : memref<2x128x128xf32, #tpu.memory_space<vmem>> -> memref<1x128x128xf32, #tpu.memory_space<vmem>>
        %dma_start3A_203 = tpu.memref_squeeze %dma_start3A_202 : memref<1x128x128xf32, #tpu.memory_space<vmem>> -> memref<128x128xf32, #tpu.memory_space<vmem>>
        %dma_start3A_204 = arith.constant 0 : i32
        %dma_start3A_205 = tpu.memref_slice %arg8[%add3A_155, %dma_start3A_204] : memref<56x128xi32, #tpu.memory_space<vmem>> -> memref<1x128xi32, #tpu.memory_space<vmem>>
        %dma_start3A_206 = tpu.memref_squeeze %dma_start3A_205 : memref<1x128xi32, #tpu.memory_space<vmem>> -> memref<128xi32, #tpu.memory_space<vmem>>
        %dma_start3A_207 = arith.constant 0 : i32
        %dma_start3A_208 = arith.constant 0 : i32
        %dma_start3A_209 = tpu.memref_slice %arg10[%dma_start3A_207, %dma_start3A_208] : memref<10112x128xf32, #tpu.memory_space<vmem_shared>> -> memref<10112x128xf32, #tpu.memory_space<vmem_shared>>
        tpu.enqueue_indirect_dma source(%dma_start3A_203 : memref<128x128xf32, #tpu.memory_space<vmem>>) target(%dma_start3A_209 : memref<10112x128xf32, #tpu.memory_space<vmem_shared>>) offsets(%dma_start3A_206 : memref<128xi32, #tpu.memory_space<vmem>>) semaphore(%run_scoped3A_199 : memref<!tpu.dma_semaphore, #tpu.memory_space<semaphore_mem>>) {add = true}
        %dma_wait3A_210 = arith.constant 0 : i32
        %dma_wait3A_211 = arith.constant 0 : i32
        %dma_wait3A_212 = tpu.memref_slice %arg9[%run_scoped3A, %dma_wait3A_210, %dma_wait3A_211] : memref<2x128x128xf32, #tpu.memory_space<vmem>> -> memref<1x128x128xf32, #tpu.memory_space<vmem>>
        %dma_wait3A_213 = tpu.memref_squeeze %dma_wait3A_212 : memref<1x128x128xf32, #tpu.memory_space<vmem>> -> memref<128x128xf32, #tpu.memory_space<vmem>>
        %dma_wait3A_214 = arith.constant 0 : i32
        %dma_wait3A_215 = tpu.memref_slice %arg8[%add3A_155, %dma_wait3A_214] : memref<56x128xi32, #tpu.memory_space<vmem>> -> memref<1x128xi32, #tpu.memory_space<vmem>>
        %dma_wait3A_216 = tpu.memref_squeeze %dma_wait3A_215 : memref<1x128xi32, #tpu.memory_space<vmem>> -> memref<128xi32, #tpu.memory_space<vmem>>
        %dma_wait3A_217 = arith.constant 0 : i32
        %dma_wait3A_218 = arith.constant 0 : i32
        %dma_wait3A_219 = tpu.memref_slice %arg10[%dma_wait3A_217, %dma_wait3A_218] : memref<10112x128xf32, #tpu.memory_space<vmem_shared>> -> memref<10112x128xf32, #tpu.memory_space<vmem_shared>>
        tpu.wait_indirect_dma semaphore(%run_scoped3A_199 : memref<!tpu.dma_semaphore, #tpu.memory_space<semaphore_mem>>) src(%dma_wait3A_213 : memref<128x128xf32, #tpu.memory_space<vmem>>) dst(%dma_wait3A_219 : memref<10112x128xf32, #tpu.memory_space<vmem_shared>>)
        tpu.yield
      }) : () -> ()
      %mul3A_173 = arith.constant 2 : i32
      %mul3A_174 = arith.muli %mul3A_173, %while3A_151 : i32
      %add3A_175 = arith.constant 1 : i32
      %add3A_176 = arith.addi %mul3A_174, %add3A_175 : i32
      %dma_wait3A_177 = arith.constant 1 : i32
      %dma_wait3A_178 = arith.constant 0 : i32
      %dma_wait3A_179 = arith.constant 0 : i32
      %dma_wait3A_180 = tpu.memref_slice %arg9[%dma_wait3A_177, %dma_wait3A_178, %dma_wait3A_179] : memref<2x128x128xf32, #tpu.memory_space<vmem>> -> memref<1x128x128xf32, #tpu.memory_space<vmem>>
      %dma_wait3A_181 = tpu.memref_squeeze %dma_wait3A_180 : memref<1x128x128xf32, #tpu.memory_space<vmem>> -> memref<128x128xf32, #tpu.memory_space<vmem>>
      %dma_wait3A_182 = arith.constant 0 : i32
      %dma_wait3A_183 = arith.constant 0 : i32
      %dma_wait3A_184 = tpu.memref_slice %arg2[%dma_wait3A_182, %dma_wait3A_183] : memref<10016x128xf32, #tpu.memory_space<hbm>> -> memref<128x128xf32, #tpu.memory_space<hbm>>
      %dma_wait3A_185 = arith.constant 0 : i32
      %dma_wait3A_186 = arith.constant 0 : i32
      %dma_wait3A_187 = tpu.memref_slice %arg9[%dma_wait3A_177, %dma_wait3A_185, %dma_wait3A_186] : memref<2x128x128xf32, #tpu.memory_space<vmem>> -> memref<1x128x128xf32, #tpu.memory_space<vmem>>
      %dma_wait3A_188 = tpu.memref_squeeze %dma_wait3A_187 : memref<1x128x128xf32, #tpu.memory_space<vmem>> -> memref<128x128xf32, #tpu.memory_space<vmem>>
      %dma_wait3A_189 = arith.constant 0 : i32
      %dma_wait3A_190 = arith.constant 0 : i32
      %dma_wait3A_191 = tpu.memref_slice %arg2[%dma_wait3A_189, %dma_wait3A_190] : memref<10016x128xf32, #tpu.memory_space<hbm>> -> memref<128x128xf32, #tpu.memory_space<hbm>>
      tpu.wait_dma2 semaphore(%arg12 : memref<!tpu.dma_semaphore, #tpu.memory_space<semaphore_mem>>) src(%dma_wait3A_191 : memref<128x128xf32, #tpu.memory_space<hbm>>) dst(%dma_wait3A_188 : memref<128x128xf32, #tpu.memory_space<vmem>>)
      %add3A_192 = arith.constant 2 : i32
      %add3A_193 = arith.addi %add3A_176, %add3A_192 : i32
      %lt3A_194 = arith.cmpi slt, %add3A_193, %select_n3A_28 : i32
      %convert_element_type3A_195 = arith.extui %lt3A_194 : i1 to i32
      %cond3A_196 = arith.constant 0 : i32
      %cond3A_197 = arith.cmpi ne, %convert_element_type3A_195, %cond3A_196 : i32
      scf.if %cond3A_197 {
        %add3A_199 = arith.constant 2 : i32
        %add3A_200 = arith.addi %add3A_176, %add3A_199 : i32
        %dma_start3A_201 = arith.constant 1 : i32
        %dma_start3A_202 = arith.constant 0 : i32
        %dma_start3A_203 = arith.constant 0 : i32
        %dma_start3A_204 = tpu.memref_slice %arg9[%dma_start3A_201, %dma_start3A_202, %dma_start3A_203] : memref<2x128x128xf32, #tpu.memory_space<vmem>> -> memref<1x128x128xf32, #tpu.memory_space<vmem>>
        %dma_start3A_205 = tpu.memref_squeeze %dma_start3A_204 : memref<1x128x128xf32, #tpu.memory_space<vmem>> -> memref<128x128xf32, #tpu.memory_space<vmem>>
        %dma_start3A_206 = arith.constant 0 : i32
        %dma_start3A_207 = tpu.memref_slice %arg7[%add3A_200, %dma_start3A_206] : memref<56x128xi32, #tpu.memory_space<vmem>> -> memref<1x128xi32, #tpu.memory_space<vmem>>
        %dma_start3A_208 = tpu.memref_squeeze %dma_start3A_207 : memref<1x128xi32, #tpu.memory_space<vmem>> -> memref<128xi32, #tpu.memory_space<vmem>>
        %dma_start3A_209 = arith.constant 0 : i32
        %dma_start3A_210 = arith.constant 0 : i32
        %dma_start3A_211 = tpu.memref_slice %arg2[%dma_start3A_209, %dma_start3A_210] : memref<10016x128xf32, #tpu.memory_space<hbm>> -> memref<10016x128xf32, #tpu.memory_space<hbm>>
        tpu.enqueue_indirect_dma source(%dma_start3A_211 : memref<10016x128xf32, #tpu.memory_space<hbm>>) target(%dma_start3A_205 : memref<128x128xf32, #tpu.memory_space<vmem>>) offsets(%dma_start3A_208 : memref<128xi32, #tpu.memory_space<vmem>>) semaphore(%arg12 : memref<!tpu.dma_semaphore, #tpu.memory_space<semaphore_mem>>)
      } else {
      }
      %run_scoped3A_198 = arith.constant 1 : i32
      "tpu.region"() ({
        %run_scoped3A_199 = tpu.sem_alloc : memref<!tpu.dma_semaphore, #tpu.memory_space<semaphore_mem>>
        %dma_start3A_200 = arith.constant 0 : i32
        %dma_start3A_201 = arith.constant 0 : i32
        %dma_start3A_202 = tpu.memref_slice %arg9[%run_scoped3A_198, %dma_start3A_200, %dma_start3A_201] : memref<2x128x128xf32, #tpu.memory_space<vmem>> -> memref<1x128x128xf32, #tpu.memory_space<vmem>>
        %dma_start3A_203 = tpu.memref_squeeze %dma_start3A_202 : memref<1x128x128xf32, #tpu.memory_space<vmem>> -> memref<128x128xf32, #tpu.memory_space<vmem>>
        %dma_start3A_204 = arith.constant 0 : i32
        %dma_start3A_205 = tpu.memref_slice %arg8[%add3A_176, %dma_start3A_204] : memref<56x128xi32, #tpu.memory_space<vmem>> -> memref<1x128xi32, #tpu.memory_space<vmem>>
        %dma_start3A_206 = tpu.memref_squeeze %dma_start3A_205 : memref<1x128xi32, #tpu.memory_space<vmem>> -> memref<128xi32, #tpu.memory_space<vmem>>
        %dma_start3A_207 = arith.constant 0 : i32
        %dma_start3A_208 = arith.constant 0 : i32
        %dma_start3A_209 = tpu.memref_slice %arg10[%dma_start3A_207, %dma_start3A_208] : memref<10112x128xf32, #tpu.memory_space<vmem_shared>> -> memref<10112x128xf32, #tpu.memory_space<vmem_shared>>
        tpu.enqueue_indirect_dma source(%dma_start3A_203 : memref<128x128xf32, #tpu.memory_space<vmem>>) target(%dma_start3A_209 : memref<10112x128xf32, #tpu.memory_space<vmem_shared>>) offsets(%dma_start3A_206 : memref<128xi32, #tpu.memory_space<vmem>>) semaphore(%run_scoped3A_199 : memref<!tpu.dma_semaphore, #tpu.memory_space<semaphore_mem>>) {add = true}
        %dma_wait3A_210 = arith.constant 0 : i32
        %dma_wait3A_211 = arith.constant 0 : i32
        %dma_wait3A_212 = tpu.memref_slice %arg9[%run_scoped3A_198, %dma_wait3A_210, %dma_wait3A_211] : memref<2x128x128xf32, #tpu.memory_space<vmem>> -> memref<1x128x128xf32, #tpu.memory_space<vmem>>
        %dma_wait3A_213 = tpu.memref_squeeze %dma_wait3A_212 : memref<1x128x128xf32, #tpu.memory_space<vmem>> -> memref<128x128xf32, #tpu.memory_space<vmem>>
        %dma_wait3A_214 = arith.constant 0 : i32
        %dma_wait3A_215 = tpu.memref_slice %arg8[%add3A_176, %dma_wait3A_214] : memref<56x128xi32, #tpu.memory_space<vmem>> -> memref<1x128xi32, #tpu.memory_space<vmem>>
        %dma_wait3A_216 = tpu.memref_squeeze %dma_wait3A_215 : memref<1x128xi32, #tpu.memory_space<vmem>> -> memref<128xi32, #tpu.memory_space<vmem>>
        %dma_wait3A_217 = arith.constant 0 : i32
        %dma_wait3A_218 = arith.constant 0 : i32
        %dma_wait3A_219 = tpu.memref_slice %arg10[%dma_wait3A_217, %dma_wait3A_218] : memref<10112x128xf32, #tpu.memory_space<vmem_shared>> -> memref<10112x128xf32, #tpu.memory_space<vmem_shared>>
        tpu.wait_indirect_dma semaphore(%run_scoped3A_199 : memref<!tpu.dma_semaphore, #tpu.memory_space<semaphore_mem>>) src(%dma_wait3A_213 : memref<128x128xf32, #tpu.memory_space<vmem>>) dst(%dma_wait3A_219 : memref<10112x128xf32, #tpu.memory_space<vmem_shared>>)
        tpu.yield
      }) : () -> ()
    }
    %barrier3A_150 = arith.constant 0 : index
    tpu.barrier barrier_id(%barrier3A_150)
    "tpu.region"() ({
      %run_scoped3A = tpu.sem_alloc : memref<!tpu.dma_semaphore, #tpu.memory_space<semaphore_mem>>
      %dma_start3A_151 = arith.constant 0 : i32
      %dma_start3A_152 = tpu.memref_slice %arg6[%arg0, %mul3A_0, %dma_start3A_151] : memref<2x10112x128xf32, #tpu.memory_space<hbm>> -> memref<1x632x128xf32, #tpu.memory_space<hbm>>
      %dma_start3A_153 = tpu.memref_squeeze %dma_start3A_152 : memref<1x632x128xf32, #tpu.memory_space<hbm>> -> memref<632x128xf32, #tpu.memory_space<hbm>>
      %dma_start3A_154 = arith.constant 0 : i32
      %dma_start3A_155 = tpu.memref_slice %arg10[%mul3A_0, %dma_start3A_154] : memref<10112x128xf32, #tpu.memory_space<vmem_shared>> -> memref<632x128xf32, #tpu.memory_space<vmem_shared>>
      tpu.enqueue_dma source(%dma_start3A_155 : memref<632x128xf32, #tpu.memory_space<vmem_shared>>) target(%dma_start3A_153 : memref<632x128xf32, #tpu.memory_space<hbm>>) target_semaphore(%run_scoped3A : memref<!tpu.dma_semaphore, #tpu.memory_space<semaphore_mem>>)
      %dma_wait3A = arith.constant 0 : i32
      %dma_wait3A_156 = tpu.memref_slice %arg6[%arg0, %mul3A_0, %dma_wait3A] : memref<2x10112x128xf32, #tpu.memory_space<hbm>> -> memref<1x632x128xf32, #tpu.memory_space<hbm>>
      %dma_wait3A_157 = tpu.memref_squeeze %dma_wait3A_156 : memref<1x632x128xf32, #tpu.memory_space<hbm>> -> memref<632x128xf32, #tpu.memory_space<hbm>>
      %dma_wait3A_158 = arith.constant 0 : i32
      %dma_wait3A_159 = tpu.memref_slice %arg10[%mul3A_0, %dma_wait3A_158] : memref<10112x128xf32, #tpu.memory_space<vmem_shared>> -> memref<632x128xf32, #tpu.memory_space<vmem_shared>>
      tpu.wait_dma2 semaphore(%run_scoped3A : memref<!tpu.dma_semaphore, #tpu.memory_space<semaphore_mem>>) src(%dma_wait3A_159 : memref<632x128xf32, #tpu.memory_space<vmem_shared>>) dst(%dma_wait3A_157 : memref<632x128xf32, #tpu.memory_space<hbm>>)
      tpu.yield
    }) : () -> ()
    return
  }
}

module attributes {stable_mosaic.version = 14 : i64} {
  func.func @_a_body(%arg0: i32, %arg1: memref<2x2000x128xf32, #tpu.memory_space<vmem>>, %arg2: memref<2000x128xf32, #tpu.memory_space<vmem>>, %arg3: memref<128x200xf32, #tpu.memory_space<vmem>>, %arg4: memref<1x200xf32, #tpu.memory_space<vmem>>, %arg5: memref<128x200xf32, #tpu.memory_space<vmem>>, %arg6: memref<200x1xf32, #tpu.memory_space<vmem>>, %arg7: memref<2000x200xf32, #tpu.memory_space<vmem>>, %arg8: memref<2000x1xf32, #tpu.memory_space<vmem>>) attributes {dimension_semantics = [#tpu.dimension_semantics<arbitrary>], iteration_bounds = array<i64: 5>, scalar_prefetch = 0 : i64, scratch_operands = 0 : i64, tpu.core_type = #tpu.core_type<tc>, window_params = [{transform_indices = @transform_0, window_bounds = array<i64: 2, 2000, 128>}, {transform_indices = @transform_1, window_bounds = array<i64: 2000, 128>}, {pipeline_mode = #tpu.pipeline_mode<synchronous>, transform_indices = @transform_2, window_bounds = array<i64: 128, 200>}, {pipeline_mode = #tpu.pipeline_mode<synchronous>, transform_indices = @transform_3, window_bounds = array<i64: 1, 200>}, {pipeline_mode = #tpu.pipeline_mode<synchronous>, transform_indices = @transform_4, window_bounds = array<i64: 128, 200>}, {pipeline_mode = #tpu.pipeline_mode<synchronous>, transform_indices = @transform_5, window_bounds = array<i64: 200, 1>}, {transform_indices = @transform_6, window_bounds = array<i64: 2000, 200>}, {transform_indices = @transform_7, window_bounds = array<i64: 2000, 1>}]} {
    %get3A = arith.constant 0 : index
    %get3A_0 = arith.constant 0 : index
    %get3A_1 = arith.constant 0 : index
    %get3A_2 = vector.load %arg1[%get3A, %get3A_0, %get3A_1] : memref<2x2000x128xf32, #tpu.memory_space<vmem>>, vector<1x2000x128xf32>
    %get3A_3 = vector.shape_cast %get3A_2 : vector<1x2000x128xf32> to vector<2000x128xf32>
    %get3A_4 = arith.constant 1 : index
    %get3A_5 = arith.constant 0 : index
    %get3A_6 = arith.constant 0 : index
    %get3A_7 = vector.load %arg1[%get3A_4, %get3A_5, %get3A_6] : memref<2x2000x128xf32, #tpu.memory_space<vmem>>, vector<1x2000x128xf32>
    %get3A_8 = vector.shape_cast %get3A_7 : vector<1x2000x128xf32> to vector<2000x128xf32>
    %add3A = arith.addf %get3A_3, %get3A_8 : vector<2000x128xf32>
    %get3A_9 = arith.constant 0 : index
    %get3A_10 = arith.constant 0 : index
    %get3A_11 = vector.load %arg3[%get3A_9, %get3A_10] : memref<128x200xf32, #tpu.memory_space<vmem>>, vector<128x200xf32>
    %dot_general3A = arith.constant dense<0.000000e+00> : vector<2000x200xf32>
    %dot_general3A_12 = tpu.matmul %add3A, %get3A_11, %dot_general3A {dimension_numbers = #tpu.dot_dimension_numbers<[1], [0], [0], [1], [0, 0, 1, 1], [], []>, transpose_lhs_hint = false} : vector<2000x128xf32>, vector<128x200xf32>, vector<2000x200xf32> -> vector<2000x200xf32>
    %get3A_13 = arith.constant 0 : index
    %get3A_14 = arith.constant 0 : index
    %get3A_15 = vector.load %arg4[%get3A_13, %get3A_14] : memref<1x200xf32, #tpu.memory_space<vmem>>, vector<1x200xf32>
    %add3A_16 = vector.broadcast %get3A_15 : vector<1x200xf32> to vector<2000x200xf32>
    %add3A_17 = arith.addf %dot_general3A_12, %add3A_16 : vector<2000x200xf32>
    %get3A_18 = arith.constant 0 : index
    %get3A_19 = arith.constant 0 : index
    %get3A_20 = vector.load %arg2[%get3A_18, %get3A_19] : memref<2000x128xf32, #tpu.memory_space<vmem>>, vector<2000x128xf32>
    %get3A_21 = arith.constant 0 : index
    %get3A_22 = arith.constant 0 : index
    %get3A_23 = vector.load %arg5[%get3A_21, %get3A_22] : memref<128x200xf32, #tpu.memory_space<vmem>>, vector<128x200xf32>
    %dot_general3A_24 = arith.constant dense<0.000000e+00> : vector<2000x200xf32>
    %dot_general3A_25 = tpu.matmul %get3A_20, %get3A_23, %dot_general3A_24 {dimension_numbers = #tpu.dot_dimension_numbers<[1], [0], [0], [1], [0, 0, 1, 1], [], []>, transpose_lhs_hint = false} : vector<2000x128xf32>, vector<128x200xf32>, vector<2000x200xf32> -> vector<2000x200xf32>
    %add3A_26 = arith.addf %add3A_17, %dot_general3A_25 : vector<2000x200xf32>
    %mul3A = arith.constant 0.999994993 : f32
    %mul3A_27 = vector.broadcast %mul3A : f32 to vector<2000x200xf32>
    %mul3A_28 = arith.mulf %add3A_26, %mul3A_27 : vector<2000x200xf32>
    %max3A = arith.constant 0.000000e+00 : f32
    %max3A_29 = vector.broadcast %max3A : f32 to vector<2000x200xf32>
    %max3A_30 = arith.maximumf %mul3A_28, %max3A_29 : vector<2000x200xf32>
    %swap3A = arith.constant 0 : index
    %swap3A_31 = arith.constant 0 : index
    %swap3A_32 = vector.load %arg7[%swap3A, %swap3A_31] : memref<2000x200xf32, #tpu.memory_space<vmem>>, vector<2000x200xf32>
    tpu.vector_store %arg7[%swap3A, %swap3A_31], %max3A_30 {strides = array<i32>} : memref<2000x200xf32, #tpu.memory_space<vmem>>, vector<2000x200xf32>,
    %get3A_33 = arith.constant 0 : index
    %get3A_34 = arith.constant 0 : index
    %get3A_35 = vector.load %arg6[%get3A_33, %get3A_34] : memref<200x1xf32, #tpu.memory_space<vmem>>, vector<200x1xf32>
    %mul3A_36 = arith.mulf %get3A_35, %get3A_35 : vector<200x1xf32>
    %reduce_sum3A = vector.shape_cast %mul3A_36 : vector<200x1xf32> to vector<1x200x1xf32>
    %reduce_sum3A_37 = arith.constant dense<0.000000e+00> : vector<1xf32>
    %reduce_sum3A_38 = vector.multi_reduction <add>, %reduce_sum3A, %reduce_sum3A_37 [1, 2] : vector<1x200x1xf32> to vector<1xf32>
    %reduce_sum3A_39 = vector.shape_cast %reduce_sum3A_38 : vector<1xf32> to vector<1x1x1xf32>
    %reduce_sum3A_40 = vector.extract %reduce_sum3A_39[0, 0, 0] : f32 from vector<1x1x1xf32>
    %rsqrt3A = math.rsqrt %reduce_sum3A_40 : f32
    %dot_general3A_41 = arith.constant dense<0.000000e+00> : vector<2000x1xf32>
    %dot_general3A_42 = tpu.matmul %max3A_30, %get3A_35, %dot_general3A_41 {dimension_numbers = #tpu.dot_dimension_numbers<[1], [0], [0], [1], [0, 0, 1, 1], [], []>, transpose_lhs_hint = false} : vector<2000x200xf32>, vector<200x1xf32>, vector<2000x1xf32> -> vector<2000x1xf32>
    %mul3A_43 = vector.broadcast %rsqrt3A : f32 to vector<2000x1xf32>
    %mul3A_44 = arith.mulf %dot_general3A_42, %mul3A_43 : vector<2000x1xf32>
    %tanh3A = math.tanh %mul3A_44 : vector<2000x1xf32>
    %swap3A_45 = arith.constant 0 : index
    %swap3A_46 = arith.constant 0 : index
    %swap3A_47 = vector.load %arg8[%swap3A_45, %swap3A_46] : memref<2000x1xf32, #tpu.memory_space<vmem>>, vector<2000x1xf32>
    tpu.vector_store %arg8[%swap3A_45, %swap3A_46], %tanh3A {strides = array<i32>} : memref<2000x1xf32, #tpu.memory_space<vmem>>, vector<2000x1xf32>,
    return
  }
  func.func @transform_0(%arg0: i32) -> (i32, i32, i32) {
    %c0_i32 = arith.constant 0 : i32
    %c0_i32_0 = arith.constant 0 : i32
    %c0_i32_1 = arith.constant 0 : i32
    return %c0_i32, %arg0, %c0_i32_0 : i32, i32, i32
  }
  func.func @transform_1(%arg0: i32) -> (i32, i32) {
    %c0_i32 = arith.constant 0 : i32
    %c0_i32_0 = arith.constant 0 : i32
    return %arg0, %c0_i32 : i32, i32
  }
  func.func @transform_2(%arg0: i32) -> (i32, i32) {
    %c0_i32 = arith.constant 0 : i32
    %c0_i32_0 = arith.constant 0 : i32
    %c0_i32_1 = arith.constant 0 : i32
    return %c0_i32, %c0_i32_0 : i32, i32
  }
  func.func @transform_3(%arg0: i32) -> (i32, i32) {
    %c0_i32 = arith.constant 0 : i32
    %c0_i32_0 = arith.constant 0 : i32
    %c0_i32_1 = arith.constant 0 : i32
    return %c0_i32, %c0_i32_0 : i32, i32
  }
  func.func @transform_4(%arg0: i32) -> (i32, i32) {
    %c0_i32 = arith.constant 0 : i32
    %c0_i32_0 = arith.constant 0 : i32
    %c0_i32_1 = arith.constant 0 : i32
    return %c0_i32, %c0_i32_0 : i32, i32
  }
  func.func @transform_5(%arg0: i32) -> (i32, i32) {
    %c0_i32 = arith.constant 0 : i32
    %c0_i32_0 = arith.constant 0 : i32
    %c0_i32_1 = arith.constant 0 : i32
    return %c0_i32, %c0_i32_0 : i32, i32
  }
  func.func @transform_6(%arg0: i32) -> (i32, i32) {
    %c0_i32 = arith.constant 0 : i32
    %c0_i32_0 = arith.constant 0 : i32
    return %arg0, %c0_i32 : i32, i32
  }
  func.func @transform_7(%arg0: i32) -> (i32, i32) {
    %c0_i32 = arith.constant 0 : i32
    %c0_i32_0 = arith.constant 0 : i32
    return %arg0, %c0_i32 : i32, i32
  }
}

module attributes {stable_mosaic.version = 14 : i64} {
  func.func @_bc_body(%arg0: i32, %arg1: memref<50xi32, #tpu.memory_space<smem>>, %arg2: memref<50xi32, #tpu.memory_space<smem>>, %arg3: memref<50xi32, #tpu.memory_space<smem>>, %arg4: memref<50xi32, #tpu.memory_space<smem>>, %arg5: memref<200x200xf32, #tpu.memory_space<vmem>>, %arg6: memref<200x1xf32, #tpu.memory_space<vmem>>, %arg7: memref<200x1xf32, #tpu.memory_space<vmem>>, %arg8: memref<200x1xi32, #tpu.memory_space<vmem>>, %arg9: memref<50x1x200xf32, #tpu.memory_space<vmem>>, %arg10: memref<50x1x200xi32, #tpu.memory_space<vmem>>, %arg11: memref<50x1x200xf32, #tpu.memory_space<vmem>>, %arg12: memref<2x104x200xf32, #tpu.memory_space<vmem>>, %arg13: memref<104x1xf32, #tpu.memory_space<vmem>>, %arg14: memref<104x200xf32, #tpu.memory_space<vmem>>, %arg15: memref<104x200xf32, #tpu.memory_space<vmem>>, %arg16: memref<104x200xf32, #tpu.memory_space<vmem>>, %arg17: memref<104x200xf32, #tpu.memory_space<vmem>>) attributes {dimension_semantics = [#tpu.dimension_semantics<arbitrary>], iteration_bounds = array<i64: 50>, scalar_prefetch = 0 : i64, scratch_operands = 5 : i64, tpu.core_type = #tpu.core_type<tc>, window_params = [{transform_indices = @transform_0, window_bounds = array<i64: 50>}, {transform_indices = @transform_1, window_bounds = array<i64: 50>}, {transform_indices = @transform_2, window_bounds = array<i64: 50>}, {transform_indices = @transform_3, window_bounds = array<i64: 50>}, {transform_indices = @transform_4, window_bounds = array<i64: 200, 200>}, {transform_indices = @transform_5, window_bounds = array<i64: 200, 1>}, {transform_indices = @transform_6, window_bounds = array<i64: 200, 1>}, {transform_indices = @transform_7, window_bounds = array<i64: 200, 1>}, {pipeline_mode = #tpu.pipeline_mode<synchronous>, transform_indices = @transform_8, window_bounds = array<i64: 50, 1, 200>}, {pipeline_mode = #tpu.pipeline_mode<synchronous>, transform_indices = @transform_9, window_bounds = array<i64: 50, 1, 200>}, {pipeline_mode = #tpu.pipeline_mode<synchronous>, transform_indices = @transform_10, window_bounds = array<i64: 50, 1, 200>}, {pipeline_mode = #tpu.pipeline_mode<synchronous>, transform_indices = @transform_11, window_bounds = array<i64: 2, 104, 200>}]} {
    %eq3A = arith.constant 0 : i32
    %eq3A_0 = arith.cmpi eq, %arg0, %eq3A : i32
    %convert_element_type3A = arith.extui %eq3A_0 : i1 to i32
    %cond3A = arith.constant 0 : i32
    %cond3A_1 = arith.cmpi ne, %convert_element_type3A, %cond3A : i32
    scf.if %cond3A_1 {
      %broadcast_in_dim3A_55 = arith.constant 0.000000e+00 : f32
      %broadcast_in_dim3A_56 = vector.broadcast %broadcast_in_dim3A_55 : f32 to vector<104x1xf32>
      %swap3A = arith.constant 0 : index
      %swap3A_57 = arith.constant 0 : index
      %swap3A_58 = vector.load %arg13[%swap3A, %swap3A_57] : memref<104x1xf32, #tpu.memory_space<vmem>>, vector<104x1xf32>
      tpu.vector_store %arg13[%swap3A, %swap3A_57], %broadcast_in_dim3A_56 {strides = array<i32>} : memref<104x1xf32, #tpu.memory_space<vmem>>, vector<104x1xf32>,
      %broadcast_in_dim3A_59 = arith.constant 0.000000e+00 : f32
      %broadcast_in_dim3A_60 = vector.broadcast %broadcast_in_dim3A_59 : f32 to vector<104x200xf32>
      %swap3A_61 = arith.constant 0 : index
      %swap3A_62 = arith.constant 0 : index
      %swap3A_63 = vector.load %arg14[%swap3A_61, %swap3A_62] : memref<104x200xf32, #tpu.memory_space<vmem>>, vector<104x200xf32>
      tpu.vector_store %arg14[%swap3A_61, %swap3A_62], %broadcast_in_dim3A_60 {strides = array<i32>} : memref<104x200xf32, #tpu.memory_space<vmem>>, vector<104x200xf32>,
      %broadcast_in_dim3A_64 = arith.constant -1.000000e+30 : f32
      %broadcast_in_dim3A_65 = vector.broadcast %broadcast_in_dim3A_64 : f32 to vector<104x200xf32>
      %swap3A_66 = arith.constant 0 : index
      %swap3A_67 = arith.constant 0 : index
      %swap3A_68 = vector.load %arg15[%swap3A_66, %swap3A_67] : memref<104x200xf32, #tpu.memory_space<vmem>>, vector<104x200xf32>
      tpu.vector_store %arg15[%swap3A_66, %swap3A_67], %broadcast_in_dim3A_65 {strides = array<i32>} : memref<104x200xf32, #tpu.memory_space<vmem>>, vector<104x200xf32>,
      %broadcast_in_dim3A_69 = arith.constant 0.000000e+00 : f32
      %broadcast_in_dim3A_70 = vector.broadcast %broadcast_in_dim3A_69 : f32 to vector<104x200xf32>
      %swap3A_71 = arith.constant 0 : index
      %swap3A_72 = arith.constant 0 : index
      %swap3A_73 = vector.load %arg16[%swap3A_71, %swap3A_72] : memref<104x200xf32, #tpu.memory_space<vmem>>, vector<104x200xf32>
      tpu.vector_store %arg16[%swap3A_71, %swap3A_72], %broadcast_in_dim3A_70 {strides = array<i32>} : memref<104x200xf32, #tpu.memory_space<vmem>>, vector<104x200xf32>,
      %broadcast_in_dim3A_74 = arith.constant -1.000000e+30 : f32
      %broadcast_in_dim3A_75 = vector.broadcast %broadcast_in_dim3A_74 : f32 to vector<104x200xf32>
      %swap3A_76 = arith.constant 0 : index
      %swap3A_77 = arith.constant 0 : index
      %swap3A_78 = vector.load %arg17[%swap3A_76, %swap3A_77] : memref<104x200xf32, #tpu.memory_space<vmem>>, vector<104x200xf32>
      tpu.vector_store %arg17[%swap3A_76, %swap3A_77], %broadcast_in_dim3A_75 {strides = array<i32>} : memref<104x200xf32, #tpu.memory_space<vmem>>, vector<104x200xf32>,
    } else {
    }
    %get3A = arith.constant 0 : index
    %get3A_2 = arith.constant 0 : index
    %get3A_3 = vector.load %arg6[%get3A, %get3A_2] : memref<200x1xf32, #tpu.memory_space<vmem>>, vector<200x1xf32>
    %get3A_4 = arith.constant 0 : index
    %get3A_5 = arith.constant 0 : index
    %get3A_6 = vector.load %arg8[%get3A_4, %get3A_5] : memref<200x1xi32, #tpu.memory_space<vmem>>, vector<200x1xi32>
    %get3A_7 = arith.constant 0 : index
    %get3A_8 = arith.constant 0 : index
    %get3A_9 = vector.load %arg7[%get3A_7, %get3A_8] : memref<200x1xf32, #tpu.memory_space<vmem>>, vector<200x1xf32>
    %broadcast_in_dim3A = arith.constant 0.000000e+00 : f32
    %broadcast_in_dim3A_10 = vector.broadcast %broadcast_in_dim3A : f32 to vector<200x1xf32>
    %get3A_11 = arith.index_cast %arg0 : i32 to index
    %get3A_12 = memref.load %arg1[%get3A_11] : memref<50xi32, #tpu.memory_space<smem>>
    %get3A_13 = arith.index_cast %arg0 : i32 to index
    %get3A_14 = memref.load %arg2[%get3A_13] : memref<50xi32, #tpu.memory_space<smem>>
    %add3A = arith.constant 1 : i32
    %add3A_15 = arith.addi %get3A_14, %add3A : i32
    %while3A = arith.subi %add3A_15, %get3A_12 : i32
    %while3A_16 = arith.addi %get3A_12, %while3A : i32
    %while3A_17 = arith.constant 1 : i32
    %while3A_18 = arith.divsi %while3A, %while3A_17 : i32
    %while3A_19 = arith.muli %while3A_18, %while3A_17 : i32
    %while3A_20 = arith.addi %get3A_12, %while3A_19 : i32
    %while3A_21 = arith.constant 1 : i32
    %while3A_22:2 = scf.for %while3A_55 = %get3A_12 to %while3A_20 step %while3A_21 iter_args(%while3A_56 = %broadcast_in_dim3A_10, %while3A_57 = %broadcast_in_dim3A_10) -> (vector<200x1xf32>, vector<200x1xf32>)  : i32 {
      %get3A_58 = arith.index_cast %while3A_55 : i32 to index
      %get3A_59 = arith.constant 0 : index
      %get3A_60 = arith.constant 0 : index
      %get3A_61 = vector.load %arg9[%get3A_58, %get3A_59, %get3A_60] : memref<50x1x200xf32, #tpu.memory_space<vmem>>, vector<1x1x200xf32>
      %get3A_62 = vector.shape_cast %get3A_61 : vector<1x1x200xf32> to vector<1x200xf32>
      %get3A_63 = arith.index_cast %while3A_55 : i32 to index
      %get3A_64 = arith.constant 0 : index
      %get3A_65 = arith.constant 0 : index
      %get3A_66 = vector.load %arg10[%get3A_63, %get3A_64, %get3A_65] : memref<50x1x200xi32, #tpu.memory_space<vmem>>, vector<1x1x200xi32>
      %get3A_67 = vector.shape_cast %get3A_66 : vector<1x1x200xi32> to vector<1x200xi32>
      %get3A_68 = arith.index_cast %while3A_55 : i32 to index
      %get3A_69 = arith.constant 0 : index
      %get3A_70 = arith.constant 0 : index
      %get3A_71 = vector.load %arg11[%get3A_68, %get3A_69, %get3A_70] : memref<50x1x200xf32, #tpu.memory_space<vmem>>, vector<1x1x200xf32>
      %get3A_72 = vector.shape_cast %get3A_71 : vector<1x1x200xf32> to vector<1x200xf32>
      %eq3A_73 = vector.broadcast %get3A_6 : vector<200x1xi32> to vector<200x200xi32>
      %eq3A_74 = vector.broadcast %get3A_67 : vector<1x200xi32> to vector<200x200xi32>
      %eq3A_75 = arith.cmpi eq, %eq3A_73, %eq3A_74 : vector<200x200xi32>
      %gt3A = vector.broadcast %get3A_62 : vector<1x200xf32> to vector<200x200xf32>
      %gt3A_76 = vector.broadcast %get3A_3 : vector<200x1xf32> to vector<200x200xf32>
      %gt3A_77 = arith.cmpf ogt, %gt3A, %gt3A_76 : vector<200x200xf32>
      %eq3A_78 = vector.broadcast %get3A_62 : vector<1x200xf32> to vector<200x200xf32>
      %eq3A_79 = vector.broadcast %get3A_3 : vector<200x1xf32> to vector<200x200xf32>
      %eq3A_80 = arith.cmpf oeq, %eq3A_78, %eq3A_79 : vector<200x200xf32>
      %lt3A_81 = vector.broadcast %get3A_72 : vector<1x200xf32> to vector<200x200xf32>
      %lt3A_82 = vector.broadcast %get3A_9 : vector<200x1xf32> to vector<200x200xf32>
      %lt3A_83 = arith.cmpf olt, %lt3A_81, %lt3A_82 : vector<200x200xf32>
      %and3A = arith.andi %eq3A_80, %lt3A_83 : vector<200x200xi1>
      %or3A = arith.ori %gt3A_77, %and3A : vector<200x200xi1>
      %and3A_84 = arith.andi %eq3A_75, %or3A : vector<200x200xi1>
      %jit3A = arith.constant 1.000000e+00 : f32
      %jit3A_85 = arith.constant 0.000000e+00 : f32
      %broadcast_in_dim3A_86 = vector.broadcast %jit3A : f32 to vector<200x200xf32>
      %broadcast_in_dim3A_87 = vector.broadcast %jit3A_85 : f32 to vector<200x200xf32>
      %select_n3A = arith.select %and3A_84, %broadcast_in_dim3A_86, %broadcast_in_dim3A_87 : vector<200x200xi1>, vector<200x200xf32>
      %reduce_sum3A = arith.constant dense<0.000000e+00> : vector<200xf32>
      %reduce_sum3A_88 = vector.multi_reduction <add>, %select_n3A, %reduce_sum3A [1] : vector<200x200xf32> to vector<200xf32>
      %broadcast_in_dim3A_89 = vector.shape_cast %reduce_sum3A_88 : vector<200xf32> to vector<200x1xf32>
      %add3A_90 = arith.addf %while3A_56, %broadcast_in_dim3A_89 : vector<200x1xf32>
      %jit3A_91 = arith.constant 1.000000e+00 : f32
      %jit3A_92 = arith.constant 0.000000e+00 : f32
      %broadcast_in_dim3A_93 = vector.broadcast %jit3A_91 : f32 to vector<200x200xf32>
      %broadcast_in_dim3A_94 = vector.broadcast %jit3A_92 : f32 to vector<200x200xf32>
      %select_n3A_95 = arith.select %eq3A_75, %broadcast_in_dim3A_93, %broadcast_in_dim3A_94 : vector<200x200xi1>, vector<200x200xf32>
      %reduce_sum3A_96 = arith.constant dense<0.000000e+00> : vector<200xf32>
      %reduce_sum3A_97 = vector.multi_reduction <add>, %select_n3A_95, %reduce_sum3A_96 [1] : vector<200x200xf32> to vector<200xf32>
      %broadcast_in_dim3A_98 = vector.shape_cast %reduce_sum3A_97 : vector<200xf32> to vector<200x1xf32>
      %add3A_99 = arith.addf %while3A_57, %broadcast_in_dim3A_98 : vector<200x1xf32>
      scf.yield %add3A_90, %add3A_99 : vector<200x1xf32>, vector<200x1xf32>
    }
    %while3A_23 = arith.constant 1 : i32
    %while3A_24:2 = scf.for %while3A_55 = %while3A_20 to %while3A_16 step %while3A_23 iter_args(%while3A_56 = %while3A_22#0, %while3A_57 = %while3A_22#1) -> (vector<200x1xf32>, vector<200x1xf32>)  : i32 {
      %get3A_58 = arith.index_cast %while3A_55 : i32 to index
      %get3A_59 = arith.constant 0 : index
      %get3A_60 = arith.constant 0 : index
      %get3A_61 = vector.load %arg9[%get3A_58, %get3A_59, %get3A_60] : memref<50x1x200xf32, #tpu.memory_space<vmem>>, vector<1x1x200xf32>
      %get3A_62 = vector.shape_cast %get3A_61 : vector<1x1x200xf32> to vector<1x200xf32>
      %get3A_63 = arith.index_cast %while3A_55 : i32 to index
      %get3A_64 = arith.constant 0 : index
      %get3A_65 = arith.constant 0 : index
      %get3A_66 = vector.load %arg10[%get3A_63, %get3A_64, %get3A_65] : memref<50x1x200xi32, #tpu.memory_space<vmem>>, vector<1x1x200xi32>
      %get3A_67 = vector.shape_cast %get3A_66 : vector<1x1x200xi32> to vector<1x200xi32>
      %get3A_68 = arith.index_cast %while3A_55 : i32 to index
      %get3A_69 = arith.constant 0 : index
      %get3A_70 = arith.constant 0 : index
      %get3A_71 = vector.load %arg11[%get3A_68, %get3A_69, %get3A_70] : memref<50x1x200xf32, #tpu.memory_space<vmem>>, vector<1x1x200xf32>
      %get3A_72 = vector.shape_cast %get3A_71 : vector<1x1x200xf32> to vector<1x200xf32>
      %eq3A_73 = vector.broadcast %get3A_6 : vector<200x1xi32> to vector<200x200xi32>
      %eq3A_74 = vector.broadcast %get3A_67 : vector<1x200xi32> to vector<200x200xi32>
      %eq3A_75 = arith.cmpi eq, %eq3A_73, %eq3A_74 : vector<200x200xi32>
      %gt3A = vector.broadcast %get3A_62 : vector<1x200xf32> to vector<200x200xf32>
      %gt3A_76 = vector.broadcast %get3A_3 : vector<200x1xf32> to vector<200x200xf32>
      %gt3A_77 = arith.cmpf ogt, %gt3A, %gt3A_76 : vector<200x200xf32>
      %eq3A_78 = vector.broadcast %get3A_62 : vector<1x200xf32> to vector<200x200xf32>
      %eq3A_79 = vector.broadcast %get3A_3 : vector<200x1xf32> to vector<200x200xf32>
      %eq3A_80 = arith.cmpf oeq, %eq3A_78, %eq3A_79 : vector<200x200xf32>
      %lt3A_81 = vector.broadcast %get3A_72 : vector<1x200xf32> to vector<200x200xf32>
      %lt3A_82 = vector.broadcast %get3A_9 : vector<200x1xf32> to vector<200x200xf32>
      %lt3A_83 = arith.cmpf olt, %lt3A_81, %lt3A_82 : vector<200x200xf32>
      %and3A = arith.andi %eq3A_80, %lt3A_83 : vector<200x200xi1>
      %or3A = arith.ori %gt3A_77, %and3A : vector<200x200xi1>
      %and3A_84 = arith.andi %eq3A_75, %or3A : vector<200x200xi1>
      %jit3A = arith.constant 1.000000e+00 : f32
      %jit3A_85 = arith.constant 0.000000e+00 : f32
      %broadcast_in_dim3A_86 = vector.broadcast %jit3A : f32 to vector<200x200xf32>
      %broadcast_in_dim3A_87 = vector.broadcast %jit3A_85 : f32 to vector<200x200xf32>
      %select_n3A = arith.select %and3A_84, %broadcast_in_dim3A_86, %broadcast_in_dim3A_87 : vector<200x200xi1>, vector<200x200xf32>
      %reduce_sum3A = arith.constant dense<0.000000e+00> : vector<200xf32>
      %reduce_sum3A_88 = vector.multi_reduction <add>, %select_n3A, %reduce_sum3A [1] : vector<200x200xf32> to vector<200xf32>
      %broadcast_in_dim3A_89 = vector.shape_cast %reduce_sum3A_88 : vector<200xf32> to vector<200x1xf32>
      %add3A_90 = arith.addf %while3A_56, %broadcast_in_dim3A_89 : vector<200x1xf32>
      %jit3A_91 = arith.constant 1.000000e+00 : f32
      %jit3A_92 = arith.constant 0.000000e+00 : f32
      %broadcast_in_dim3A_93 = vector.broadcast %jit3A_91 : f32 to vector<200x200xf32>
      %broadcast_in_dim3A_94 = vector.broadcast %jit3A_92 : f32 to vector<200x200xf32>
      %select_n3A_95 = arith.select %eq3A_75, %broadcast_in_dim3A_93, %broadcast_in_dim3A_94 : vector<200x200xi1>, vector<200x200xf32>
      %reduce_sum3A_96 = arith.constant dense<0.000000e+00> : vector<200xf32>
      %reduce_sum3A_97 = vector.multi_reduction <add>, %select_n3A_95, %reduce_sum3A_96 [1] : vector<200x200xf32> to vector<200xf32>
      %broadcast_in_dim3A_98 = vector.shape_cast %reduce_sum3A_97 : vector<200xf32> to vector<200x1xf32>
      %add3A_99 = arith.addf %while3A_57, %broadcast_in_dim3A_98 : vector<200x1xf32>
      scf.yield %add3A_90, %add3A_99 : vector<200x1xf32>, vector<200x1xf32>
    }
    %mul3A = arith.constant 8.000000e-01 : f32
    %mul3A_25 = vector.broadcast %mul3A : f32 to vector<200x1xf32>
    %mul3A_26 = arith.mulf %mul3A_25, %while3A_24#1 : vector<200x1xf32>
    %ceil3A = math.ceil %mul3A_26 : vector<200x1xf32>
    %lt3A = arith.cmpf olt, %while3A_24#0, %ceil3A : vector<200x1xf32>
    %get3A_27 = arith.constant 0 : index
    %get3A_28 = arith.constant 0 : index
    %get3A_29 = vector.load %arg5[%get3A_27, %get3A_28] : memref<200x200xf32, #tpu.memory_space<vmem>>, vector<200x200xf32>
    %get3A_30 = arith.constant 0 : index
    %get3A_31 = arith.constant 0 : index
    %get3A_32 = vector.load %arg8[%get3A_30, %get3A_31] : memref<200x1xi32, #tpu.memory_space<vmem>>, vector<200x1xi32>
    %mul3A_33 = vector.broadcast %get3A_3 : vector<200x1xf32> to vector<200x200xf32>
    %mul3A_34 = arith.mulf %get3A_29, %mul3A_33 : vector<200x200xf32>
    %get3A_35 = arith.index_cast %arg0 : i32 to index
    %get3A_36 = memref.load %arg3[%get3A_35] : memref<50xi32, #tpu.memory_space<smem>>
    %get3A_37 = arith.index_cast %arg0 : i32 to index
    %get3A_38 = memref.load %arg4[%get3A_37] : memref<50xi32, #tpu.memory_space<smem>>
    %add3A_39 = arith.constant 1 : i32
    %add3A_40 = arith.addi %get3A_38, %add3A_39 : i32
    %while3A_41 = arith.constant 0 : i32
    %while3A_42 = arith.subi %add3A_40, %get3A_36 : i32
    %while3A_43 = arith.addi %get3A_36, %while3A_42 : i32
    %while3A_44 = arith.constant 1 : i32
    %while3A_45 = arith.divsi %while3A_42, %while3A_44 : i32
    %while3A_46 = arith.muli %while3A_45, %while3A_44 : i32
    %while3A_47 = arith.addi %get3A_36, %while3A_46 : i32
    %while3A_48 = arith.constant 1 : i32
    scf.for %while3A_55 = %get3A_36 to %while3A_47 step %while3A_48  : i32 {
      %eq3A_56 = vector.broadcast %while3A_55 : i32 to vector<200x1xi32>
      %eq3A_57 = arith.cmpi eq, %get3A_32, %eq3A_56 : vector<200x1xi32>
      %jit3A = arith.constant 0.000000e+00 : f32
      %broadcast_in_dim3A_58 = vector.shape_cast %eq3A_57 : vector<200x1xi1> to vector<200x1xi1>
      %broadcast_in_dim3A_59 = vector.broadcast %broadcast_in_dim3A_58 : vector<200x1xi1> to vector<200x200xi1>
      %broadcast_in_dim3A_60 = vector.broadcast %jit3A : f32 to vector<200x200xf32>
      %select_n3A = arith.select %broadcast_in_dim3A_59, %get3A_29, %broadcast_in_dim3A_60 : vector<200x200xi1>, vector<200x200xf32>
      %reduce_sum3A = arith.constant dense<0.000000e+00> : vector<200xf32>
      %reduce_sum3A_61 = vector.multi_reduction <add>, %select_n3A, %reduce_sum3A [0] : vector<200x200xf32> to vector<200xf32>
      %broadcast_in_dim3A_62 = vector.shape_cast %reduce_sum3A_61 : vector<200xf32> to vector<1x200xf32>
      %jit3A_63 = arith.constant -1.000000e+30 : f32
      %broadcast_in_dim3A_64 = vector.shape_cast %eq3A_57 : vector<200x1xi1> to vector<200x1xi1>
      %broadcast_in_dim3A_65 = vector.broadcast %broadcast_in_dim3A_64 : vector<200x1xi1> to vector<200x200xi1>
      %broadcast_in_dim3A_66 = vector.broadcast %jit3A_63 : f32 to vector<200x200xf32>
      %select_n3A_67 = arith.select %broadcast_in_dim3A_65, %get3A_29, %broadcast_in_dim3A_66 : vector<200x200xi1>, vector<200x200xf32>
      %reduce_max3A = arith.constant dense<0xFF800000> : vector<200xf32>
      %reduce_max3A_68 = vector.multi_reduction <maximumf>, %select_n3A_67, %reduce_max3A [0] : vector<200x200xf32> to vector<200xf32>
      %broadcast_in_dim3A_69 = vector.shape_cast %reduce_max3A_68 : vector<200xf32> to vector<1x200xf32>
      %and3A = arith.andi %eq3A_57, %lt3A : vector<200x1xi1>
      %jit3A_70 = arith.constant 0.000000e+00 : f32
      %broadcast_in_dim3A_71 = vector.shape_cast %and3A : vector<200x1xi1> to vector<200x1xi1>
      %broadcast_in_dim3A_72 = vector.broadcast %broadcast_in_dim3A_71 : vector<200x1xi1> to vector<200x200xi1>
      %broadcast_in_dim3A_73 = vector.broadcast %jit3A_70 : f32 to vector<200x200xf32>
      %select_n3A_74 = arith.select %broadcast_in_dim3A_72, %mul3A_34, %broadcast_in_dim3A_73 : vector<200x200xi1>, vector<200x200xf32>
      %reduce_sum3A_75 = arith.constant dense<0.000000e+00> : vector<200xf32>
      %reduce_sum3A_76 = vector.multi_reduction <add>, %select_n3A_74, %reduce_sum3A_75 [0] : vector<200x200xf32> to vector<200xf32>
      %broadcast_in_dim3A_77 = vector.shape_cast %reduce_sum3A_76 : vector<200xf32> to vector<1x200xf32>
      %jit3A_78 = arith.constant -1.000000e+30 : f32
      %broadcast_in_dim3A_79 = vector.shape_cast %and3A : vector<200x1xi1> to vector<200x1xi1>
      %broadcast_in_dim3A_80 = vector.broadcast %broadcast_in_dim3A_79 : vector<200x1xi1> to vector<200x200xi1>
      %broadcast_in_dim3A_81 = vector.broadcast %jit3A_78 : f32 to vector<200x200xf32>
      %select_n3A_82 = arith.select %broadcast_in_dim3A_80, %mul3A_34, %broadcast_in_dim3A_81 : vector<200x200xi1>, vector<200x200xf32>
      %reduce_max3A_83 = arith.constant dense<0xFF800000> : vector<200xf32>
      %reduce_max3A_84 = vector.multi_reduction <maximumf>, %select_n3A_82, %reduce_max3A_83 [0] : vector<200x200xf32> to vector<200xf32>
      %broadcast_in_dim3A_85 = vector.shape_cast %reduce_max3A_84 : vector<200xf32> to vector<1x200xf32>
      %jit3A_86 = arith.constant 1.000000e+00 : f32
      %jit3A_87 = arith.constant 0.000000e+00 : f32
      %broadcast_in_dim3A_88 = vector.broadcast %jit3A_86 : f32 to vector<200x1xf32>
      %broadcast_in_dim3A_89 = vector.broadcast %jit3A_87 : f32 to vector<200x1xf32>
      %select_n3A_90 = arith.select %eq3A_57, %broadcast_in_dim3A_88, %broadcast_in_dim3A_89 : vector<200x1xi1>, vector<200x1xf32>
      %reduce_sum3A_91 = arith.constant dense<0.000000e+00> : vector<1xf32>
      %reduce_sum3A_92 = vector.multi_reduction <add>, %select_n3A_90, %reduce_sum3A_91 [0] : vector<200x1xf32> to vector<1xf32>
      %broadcast_in_dim3A_93 = vector.shape_cast %reduce_sum3A_92 : vector<1xf32> to vector<1x1xf32>
      %get3A_94 = arith.index_cast %while3A_55 : i32 to index
      %get3A_95 = arith.constant 0 : index
      %get3A_96 = vector.load %arg13[%get3A_94, %get3A_95] : memref<104x1xf32, #tpu.memory_space<vmem>>, vector<1x1xf32>
      %add3A_97 = arith.addf %get3A_96, %broadcast_in_dim3A_93 : vector<1x1xf32>
      %swap3A = arith.index_cast %while3A_55 : i32 to index
      %swap3A_98 = arith.constant 0 : index
      %swap3A_99 = vector.load %arg13[%swap3A, %swap3A_98] : memref<104x1xf32, #tpu.memory_space<vmem>>, vector<1x1xf32>
      tpu.vector_store %arg13[%swap3A, %swap3A_98], %add3A_97 {strides = array<i32>} : memref<104x1xf32, #tpu.memory_space<vmem>>, vector<1x1xf32>,
      %get3A_100 = arith.index_cast %while3A_55 : i32 to index
      %get3A_101 = arith.constant 0 : index
      %get3A_102 = vector.load %arg14[%get3A_100, %get3A_101] : memref<104x200xf32, #tpu.memory_space<vmem>>, vector<1x200xf32>
      %add3A_103 = arith.addf %get3A_102, %broadcast_in_dim3A_62 : vector<1x200xf32>
      %swap3A_104 = arith.index_cast %while3A_55 : i32 to index
      %swap3A_105 = arith.constant 0 : index
      %swap3A_106 = vector.load %arg14[%swap3A_104, %swap3A_105] : memref<104x200xf32, #tpu.memory_space<vmem>>, vector<1x200xf32>
      tpu.vector_store %arg14[%swap3A_104, %swap3A_105], %add3A_103 {strides = array<i32>} : memref<104x200xf32, #tpu.memory_space<vmem>>, vector<1x200xf32>,
      %get3A_107 = arith.index_cast %while3A_55 : i32 to index
      %get3A_108 = arith.constant 0 : index
      %get3A_109 = vector.load %arg15[%get3A_107, %get3A_108] : memref<104x200xf32, #tpu.memory_space<vmem>>, vector<1x200xf32>
      %max3A = arith.maximumf %get3A_109, %broadcast_in_dim3A_69 : vector<1x200xf32>
      %swap3A_110 = arith.index_cast %while3A_55 : i32 to index
      %swap3A_111 = arith.constant 0 : index
      %swap3A_112 = vector.load %arg15[%swap3A_110, %swap3A_111] : memref<104x200xf32, #tpu.memory_space<vmem>>, vector<1x200xf32>
      tpu.vector_store %arg15[%swap3A_110, %swap3A_111], %max3A {strides = array<i32>} : memref<104x200xf32, #tpu.memory_space<vmem>>, vector<1x200xf32>,
      %get3A_113 = arith.index_cast %while3A_55 : i32 to index
      %get3A_114 = arith.constant 0 : index
      %get3A_115 = vector.load %arg16[%get3A_113, %get3A_114] : memref<104x200xf32, #tpu.memory_space<vmem>>, vector<1x200xf32>
      %add3A_116 = arith.addf %get3A_115, %broadcast_in_dim3A_77 : vector<1x200xf32>
      %swap3A_117 = arith.index_cast %while3A_55 : i32 to index
      %swap3A_118 = arith.constant 0 : index
      %swap3A_119 = vector.load %arg16[%swap3A_117, %swap3A_118] : memref<104x200xf32, #tpu.memory_space<vmem>>, vector<1x200xf32>
      tpu.vector_store %arg16[%swap3A_117, %swap3A_118], %add3A_116 {strides = array<i32>} : memref<104x200xf32, #tpu.memory_space<vmem>>, vector<1x200xf32>,
      %get3A_120 = arith.index_cast %while3A_55 : i32 to index
      %get3A_121 = arith.constant 0 : index
      %get3A_122 = vector.load %arg17[%get3A_120, %get3A_121] : memref<104x200xf32, #tpu.memory_space<vmem>>, vector<1x200xf32>
      %max3A_123 = arith.maximumf %get3A_122, %broadcast_in_dim3A_85 : vector<1x200xf32>
      %swap3A_124 = arith.index_cast %while3A_55 : i32 to index
      %swap3A_125 = arith.constant 0 : index
      %swap3A_126 = vector.load %arg17[%swap3A_124, %swap3A_125] : memref<104x200xf32, #tpu.memory_space<vmem>>, vector<1x200xf32>
      tpu.vector_store %arg17[%swap3A_124, %swap3A_125], %max3A_123 {strides = array<i32>} : memref<104x200xf32, #tpu.memory_space<vmem>>, vector<1x200xf32>,
    }
    %while3A_49 = arith.constant 1 : i32
    scf.for %while3A_55 = %while3A_47 to %while3A_43 step %while3A_49  : i32 {
      %eq3A_56 = vector.broadcast %while3A_55 : i32 to vector<200x1xi32>
      %eq3A_57 = arith.cmpi eq, %get3A_32, %eq3A_56 : vector<200x1xi32>
      %jit3A = arith.constant 0.000000e+00 : f32
      %broadcast_in_dim3A_58 = vector.shape_cast %eq3A_57 : vector<200x1xi1> to vector<200x1xi1>
      %broadcast_in_dim3A_59 = vector.broadcast %broadcast_in_dim3A_58 : vector<200x1xi1> to vector<200x200xi1>
      %broadcast_in_dim3A_60 = vector.broadcast %jit3A : f32 to vector<200x200xf32>
      %select_n3A = arith.select %broadcast_in_dim3A_59, %get3A_29, %broadcast_in_dim3A_60 : vector<200x200xi1>, vector<200x200xf32>
      %reduce_sum3A = arith.constant dense<0.000000e+00> : vector<200xf32>
      %reduce_sum3A_61 = vector.multi_reduction <add>, %select_n3A, %reduce_sum3A [0] : vector<200x200xf32> to vector<200xf32>
      %broadcast_in_dim3A_62 = vector.shape_cast %reduce_sum3A_61 : vector<200xf32> to vector<1x200xf32>
      %jit3A_63 = arith.constant -1.000000e+30 : f32
      %broadcast_in_dim3A_64 = vector.shape_cast %eq3A_57 : vector<200x1xi1> to vector<200x1xi1>
      %broadcast_in_dim3A_65 = vector.broadcast %broadcast_in_dim3A_64 : vector<200x1xi1> to vector<200x200xi1>
      %broadcast_in_dim3A_66 = vector.broadcast %jit3A_63 : f32 to vector<200x200xf32>
      %select_n3A_67 = arith.select %broadcast_in_dim3A_65, %get3A_29, %broadcast_in_dim3A_66 : vector<200x200xi1>, vector<200x200xf32>
      %reduce_max3A = arith.constant dense<0xFF800000> : vector<200xf32>
      %reduce_max3A_68 = vector.multi_reduction <maximumf>, %select_n3A_67, %reduce_max3A [0] : vector<200x200xf32> to vector<200xf32>
      %broadcast_in_dim3A_69 = vector.shape_cast %reduce_max3A_68 : vector<200xf32> to vector<1x200xf32>
      %and3A = arith.andi %eq3A_57, %lt3A : vector<200x1xi1>
      %jit3A_70 = arith.constant 0.000000e+00 : f32
      %broadcast_in_dim3A_71 = vector.shape_cast %and3A : vector<200x1xi1> to vector<200x1xi1>
      %broadcast_in_dim3A_72 = vector.broadcast %broadcast_in_dim3A_71 : vector<200x1xi1> to vector<200x200xi1>
      %broadcast_in_dim3A_73 = vector.broadcast %jit3A_70 : f32 to vector<200x200xf32>
      %select_n3A_74 = arith.select %broadcast_in_dim3A_72, %mul3A_34, %broadcast_in_dim3A_73 : vector<200x200xi1>, vector<200x200xf32>
      %reduce_sum3A_75 = arith.constant dense<0.000000e+00> : vector<200xf32>
      %reduce_sum3A_76 = vector.multi_reduction <add>, %select_n3A_74, %reduce_sum3A_75 [0] : vector<200x200xf32> to vector<200xf32>
      %broadcast_in_dim3A_77 = vector.shape_cast %reduce_sum3A_76 : vector<200xf32> to vector<1x200xf32>
      %jit3A_78 = arith.constant -1.000000e+30 : f32
      %broadcast_in_dim3A_79 = vector.shape_cast %and3A : vector<200x1xi1> to vector<200x1xi1>
      %broadcast_in_dim3A_80 = vector.broadcast %broadcast_in_dim3A_79 : vector<200x1xi1> to vector<200x200xi1>
      %broadcast_in_dim3A_81 = vector.broadcast %jit3A_78 : f32 to vector<200x200xf32>
      %select_n3A_82 = arith.select %broadcast_in_dim3A_80, %mul3A_34, %broadcast_in_dim3A_81 : vector<200x200xi1>, vector<200x200xf32>
      %reduce_max3A_83 = arith.constant dense<0xFF800000> : vector<200xf32>
      %reduce_max3A_84 = vector.multi_reduction <maximumf>, %select_n3A_82, %reduce_max3A_83 [0] : vector<200x200xf32> to vector<200xf32>
      %broadcast_in_dim3A_85 = vector.shape_cast %reduce_max3A_84 : vector<200xf32> to vector<1x200xf32>
      %jit3A_86 = arith.constant 1.000000e+00 : f32
      %jit3A_87 = arith.constant 0.000000e+00 : f32
      %broadcast_in_dim3A_88 = vector.broadcast %jit3A_86 : f32 to vector<200x1xf32>
      %broadcast_in_dim3A_89 = vector.broadcast %jit3A_87 : f32 to vector<200x1xf32>
      %select_n3A_90 = arith.select %eq3A_57, %broadcast_in_dim3A_88, %broadcast_in_dim3A_89 : vector<200x1xi1>, vector<200x1xf32>
      %reduce_sum3A_91 = arith.constant dense<0.000000e+00> : vector<1xf32>
      %reduce_sum3A_92 = vector.multi_reduction <add>, %select_n3A_90, %reduce_sum3A_91 [0] : vector<200x1xf32> to vector<1xf32>
      %broadcast_in_dim3A_93 = vector.shape_cast %reduce_sum3A_92 : vector<1xf32> to vector<1x1xf32>
      %get3A_94 = arith.index_cast %while3A_55 : i32 to index
      %get3A_95 = arith.constant 0 : index
      %get3A_96 = vector.load %arg13[%get3A_94, %get3A_95] : memref<104x1xf32, #tpu.memory_space<vmem>>, vector<1x1xf32>
      %add3A_97 = arith.addf %get3A_96, %broadcast_in_dim3A_93 : vector<1x1xf32>
      %swap3A = arith.index_cast %while3A_55 : i32 to index
      %swap3A_98 = arith.constant 0 : index
      %swap3A_99 = vector.load %arg13[%swap3A, %swap3A_98] : memref<104x1xf32, #tpu.memory_space<vmem>>, vector<1x1xf32>
      tpu.vector_store %arg13[%swap3A, %swap3A_98], %add3A_97 {strides = array<i32>} : memref<104x1xf32, #tpu.memory_space<vmem>>, vector<1x1xf32>,
      %get3A_100 = arith.index_cast %while3A_55 : i32 to index
      %get3A_101 = arith.constant 0 : index
      %get3A_102 = vector.load %arg14[%get3A_100, %get3A_101] : memref<104x200xf32, #tpu.memory_space<vmem>>, vector<1x200xf32>
      %add3A_103 = arith.addf %get3A_102, %broadcast_in_dim3A_62 : vector<1x200xf32>
      %swap3A_104 = arith.index_cast %while3A_55 : i32 to index
      %swap3A_105 = arith.constant 0 : index
      %swap3A_106 = vector.load %arg14[%swap3A_104, %swap3A_105] : memref<104x200xf32, #tpu.memory_space<vmem>>, vector<1x200xf32>
      tpu.vector_store %arg14[%swap3A_104, %swap3A_105], %add3A_103 {strides = array<i32>} : memref<104x200xf32, #tpu.memory_space<vmem>>, vector<1x200xf32>,
      %get3A_107 = arith.index_cast %while3A_55 : i32 to index
      %get3A_108 = arith.constant 0 : index
      %get3A_109 = vector.load %arg15[%get3A_107, %get3A_108] : memref<104x200xf32, #tpu.memory_space<vmem>>, vector<1x200xf32>
      %max3A = arith.maximumf %get3A_109, %broadcast_in_dim3A_69 : vector<1x200xf32>
      %swap3A_110 = arith.index_cast %while3A_55 : i32 to index
      %swap3A_111 = arith.constant 0 : index
      %swap3A_112 = vector.load %arg15[%swap3A_110, %swap3A_111] : memref<104x200xf32, #tpu.memory_space<vmem>>, vector<1x200xf32>
      tpu.vector_store %arg15[%swap3A_110, %swap3A_111], %max3A {strides = array<i32>} : memref<104x200xf32, #tpu.memory_space<vmem>>, vector<1x200xf32>,
      %get3A_113 = arith.index_cast %while3A_55 : i32 to index
      %get3A_114 = arith.constant 0 : index
      %get3A_115 = vector.load %arg16[%get3A_113, %get3A_114] : memref<104x200xf32, #tpu.memory_space<vmem>>, vector<1x200xf32>
      %add3A_116 = arith.addf %get3A_115, %broadcast_in_dim3A_77 : vector<1x200xf32>
      %swap3A_117 = arith.index_cast %while3A_55 : i32 to index
      %swap3A_118 = arith.constant 0 : index
      %swap3A_119 = vector.load %arg16[%swap3A_117, %swap3A_118] : memref<104x200xf32, #tpu.memory_space<vmem>>, vector<1x200xf32>
      tpu.vector_store %arg16[%swap3A_117, %swap3A_118], %add3A_116 {strides = array<i32>} : memref<104x200xf32, #tpu.memory_space<vmem>>, vector<1x200xf32>,
      %get3A_120 = arith.index_cast %while3A_55 : i32 to index
      %get3A_121 = arith.constant 0 : index
      %get3A_122 = vector.load %arg17[%get3A_120, %get3A_121] : memref<104x200xf32, #tpu.memory_space<vmem>>, vector<1x200xf32>
      %max3A_123 = arith.maximumf %get3A_122, %broadcast_in_dim3A_85 : vector<1x200xf32>
      %swap3A_124 = arith.index_cast %while3A_55 : i32 to index
      %swap3A_125 = arith.constant 0 : index
      %swap3A_126 = vector.load %arg17[%swap3A_124, %swap3A_125] : memref<104x200xf32, #tpu.memory_space<vmem>>, vector<1x200xf32>
      tpu.vector_store %arg17[%swap3A_124, %swap3A_125], %max3A_123 {strides = array<i32>} : memref<104x200xf32, #tpu.memory_space<vmem>>, vector<1x200xf32>,
    }
    %eq3A_50 = arith.constant 49 : i32
    %eq3A_51 = arith.cmpi eq, %arg0, %eq3A_50 : i32
    %convert_element_type3A_52 = arith.extui %eq3A_51 : i1 to i32
    %cond3A_53 = arith.constant 0 : i32
    %cond3A_54 = arith.cmpi ne, %convert_element_type3A_52, %cond3A_53 : i32
    scf.if %cond3A_54 {
      %get3A_55 = arith.constant 0 : index
      %get3A_56 = arith.constant 0 : index
      %get3A_57 = vector.load %arg13[%get3A_55, %get3A_56] : memref<104x1xf32, #tpu.memory_space<vmem>>, vector<104x1xf32>
      %mul3A_58 = arith.constant 8.000000e-01 : f32
      %mul3A_59 = vector.broadcast %mul3A_58 : f32 to vector<104x1xf32>
      %mul3A_60 = arith.mulf %mul3A_59, %get3A_57 : vector<104x1xf32>
      %ceil3A_61 = math.ceil %mul3A_60 : vector<104x1xf32>
      %gt3A = arith.constant 0.000000e+00 : f32
      %gt3A_62 = vector.broadcast %gt3A : f32 to vector<104x1xf32>
      %gt3A_63 = arith.cmpf ogt, %get3A_57, %gt3A_62 : vector<104x1xf32>
      %get3A_64 = arith.constant 0 : index
      %get3A_65 = arith.constant 0 : index
      %get3A_66 = vector.load %arg15[%get3A_64, %get3A_65] : memref<104x200xf32, #tpu.memory_space<vmem>>, vector<104x200xf32>
      %jit3A = arith.constant 0.000000e+00 : f32
      %broadcast_in_dim3A_67 = vector.shape_cast %gt3A_63 : vector<104x1xi1> to vector<104x1xi1>
      %broadcast_in_dim3A_68 = vector.broadcast %broadcast_in_dim3A_67 : vector<104x1xi1> to vector<104x200xi1>
      %broadcast_in_dim3A_69 = vector.broadcast %jit3A : f32 to vector<104x200xf32>
      %select_n3A = arith.select %broadcast_in_dim3A_68, %get3A_66, %broadcast_in_dim3A_69 : vector<104x200xi1>, vector<104x200xf32>
      %get3A_70 = arith.constant 0 : index
      %get3A_71 = arith.constant 0 : index
      %get3A_72 = vector.load %arg14[%get3A_70, %get3A_71] : memref<104x200xf32, #tpu.memory_space<vmem>>, vector<104x200xf32>
      %max3A = arith.constant 1.000000e+00 : f32
      %max3A_73 = vector.broadcast %max3A : f32 to vector<104x1xf32>
      %max3A_74 = arith.maximumf %get3A_57, %max3A_73 : vector<104x1xf32>
      %div3A = vector.broadcast %max3A_74 : vector<104x1xf32> to vector<104x200xf32>
      %div3A_75 = arith.divf %get3A_72, %div3A : vector<104x200xf32>
      %gt3A_76 = arith.constant 0.000000e+00 : f32
      %gt3A_77 = vector.broadcast %gt3A_76 : f32 to vector<104x1xf32>
      %gt3A_78 = arith.cmpf ogt, %ceil3A_61, %gt3A_77 : vector<104x1xf32>
      %get3A_79 = arith.constant 0 : index
      %get3A_80 = arith.constant 0 : index
      %get3A_81 = vector.load %arg17[%get3A_79, %get3A_80] : memref<104x200xf32, #tpu.memory_space<vmem>>, vector<104x200xf32>
      %jit3A_82 = arith.constant 0.000000e+00 : f32
      %broadcast_in_dim3A_83 = vector.shape_cast %gt3A_78 : vector<104x1xi1> to vector<104x1xi1>
      %broadcast_in_dim3A_84 = vector.broadcast %broadcast_in_dim3A_83 : vector<104x1xi1> to vector<104x200xi1>
      %broadcast_in_dim3A_85 = vector.broadcast %jit3A_82 : f32 to vector<104x200xf32>
      %select_n3A_86 = arith.select %broadcast_in_dim3A_84, %get3A_81, %broadcast_in_dim3A_85 : vector<104x200xi1>, vector<104x200xf32>
      %get3A_87 = arith.constant 0 : index
      %get3A_88 = arith.constant 0 : index
      %get3A_89 = vector.load %arg16[%get3A_87, %get3A_88] : memref<104x200xf32, #tpu.memory_space<vmem>>, vector<104x200xf32>
      %max3A_90 = arith.constant 1.000000e+00 : f32
      %max3A_91 = vector.broadcast %max3A_90 : f32 to vector<104x1xf32>
      %max3A_92 = arith.maximumf %ceil3A_61, %max3A_91 : vector<104x1xf32>
      %div3A_93 = vector.broadcast %max3A_92 : vector<104x1xf32> to vector<104x200xf32>
      %div3A_94 = arith.divf %get3A_89, %div3A_93 : vector<104x200xf32>
      %mul3A_95 = arith.constant 3.000000e+00 : f32
      %mul3A_96 = vector.broadcast %mul3A_95 : f32 to vector<104x200xf32>
      %mul3A_97 = arith.mulf %mul3A_96, %select_n3A_86 : vector<104x200xf32>
      %add3A_98 = arith.addf %select_n3A, %mul3A_97 : vector<104x200xf32>
      %max3A_99 = arith.constant 0.000000e+00 : f32
      %max3A_100 = vector.broadcast %max3A_99 : f32 to vector<104x200xf32>
      %max3A_101 = arith.maximumf %add3A_98, %max3A_100 : vector<104x200xf32>
      %swap3A = arith.constant 0 : index
      %swap3A_102 = arith.constant 0 : index
      %swap3A_103 = arith.constant 0 : index
      %swap3A_104 = vector.load %arg12[%swap3A, %swap3A_102, %swap3A_103] : memref<2x104x200xf32, #tpu.memory_space<vmem>>, vector<1x104x200xf32>
      %swap3A_105 = vector.shape_cast %swap3A_104 : vector<1x104x200xf32> to vector<104x200xf32>
      %swap3A_106 = vector.shape_cast %max3A_101 : vector<104x200xf32> to vector<1x104x200xf32>
      tpu.vector_store %arg12[%swap3A, %swap3A_102, %swap3A_103], %swap3A_106 {strides = array<i32>} : memref<2x104x200xf32, #tpu.memory_space<vmem>>, vector<1x104x200xf32>,
      %mul3A_107 = arith.constant 3.000000e+00 : f32
      %mul3A_108 = vector.broadcast %mul3A_107 : f32 to vector<104x200xf32>
      %mul3A_109 = arith.mulf %mul3A_108, %div3A_94 : vector<104x200xf32>
      %add3A_110 = arith.addf %div3A_75, %mul3A_109 : vector<104x200xf32>
      %max3A_111 = arith.constant 0.000000e+00 : f32
      %max3A_112 = vector.broadcast %max3A_111 : f32 to vector<104x200xf32>
      %max3A_113 = arith.maximumf %add3A_110, %max3A_112 : vector<104x200xf32>
      %swap3A_114 = arith.constant 1 : index
      %swap3A_115 = arith.constant 0 : index
      %swap3A_116 = arith.constant 0 : index
      %swap3A_117 = vector.load %arg12[%swap3A_114, %swap3A_115, %swap3A_116] : memref<2x104x200xf32, #tpu.memory_space<vmem>>, vector<1x104x200xf32>
      %swap3A_118 = vector.shape_cast %swap3A_117 : vector<1x104x200xf32> to vector<104x200xf32>
      %swap3A_119 = vector.shape_cast %max3A_113 : vector<104x200xf32> to vector<1x104x200xf32>
      tpu.vector_store %arg12[%swap3A_114, %swap3A_115, %swap3A_116], %swap3A_119 {strides = array<i32>} : memref<2x104x200xf32, #tpu.memory_space<vmem>>, vector<1x104x200xf32>,
    } else {
    }
    return
  }
  func.func @transform_0(%arg0: i32) -> i32 {
    %c0_i32 = arith.constant 0 : i32
    %c0_i32_0 = arith.constant 0 : i32
    return %c0_i32 : i32
  }
  func.func @transform_1(%arg0: i32) -> i32 {
    %c0_i32 = arith.constant 0 : i32
    %c0_i32_0 = arith.constant 0 : i32
    return %c0_i32 : i32
  }
  func.func @transform_2(%arg0: i32) -> i32 {
    %c0_i32 = arith.constant 0 : i32
    %c0_i32_0 = arith.constant 0 : i32
    return %c0_i32 : i32
  }
  func.func @transform_3(%arg0: i32) -> i32 {
    %c0_i32 = arith.constant 0 : i32
    %c0_i32_0 = arith.constant 0 : i32
    return %c0_i32 : i32
  }
  func.func @transform_4(%arg0: i32) -> (i32, i32) {
    %c0_i32 = arith.constant 0 : i32
    %c0_i32_0 = arith.constant 0 : i32
    return %arg0, %c0_i32 : i32, i32
  }
  func.func @transform_5(%arg0: i32) -> (i32, i32) {
    %c0_i32 = arith.constant 0 : i32
    %c0_i32_0 = arith.constant 0 : i32
    return %arg0, %c0_i32 : i32, i32
  }
  func.func @transform_6(%arg0: i32) -> (i32, i32) {
    %c0_i32 = arith.constant 0 : i32
    %c0_i32_0 = arith.constant 0 : i32
    return %arg0, %c0_i32 : i32, i32
  }
  func.func @transform_7(%arg0: i32) -> (i32, i32) {
    %c0_i32 = arith.constant 0 : i32
    %c0_i32_0 = arith.constant 0 : i32
    return %arg0, %c0_i32 : i32, i32
  }
  func.func @transform_8(%arg0: i32) -> (i32, i32, i32) {
    %c0_i32 = arith.constant 0 : i32
    %c0_i32_0 = arith.constant 0 : i32
    %c0_i32_1 = arith.constant 0 : i32
    %c0_i32_2 = arith.constant 0 : i32
    return %c0_i32, %c0_i32_0, %c0_i32_1 : i32, i32, i32
  }
  func.func @transform_9(%arg0: i32) -> (i32, i32, i32) {
    %c0_i32 = arith.constant 0 : i32
    %c0_i32_0 = arith.constant 0 : i32
    %c0_i32_1 = arith.constant 0 : i32
    %c0_i32_2 = arith.constant 0 : i32
    return %c0_i32, %c0_i32_0, %c0_i32_1 : i32, i32, i32
  }
  func.func @transform_10(%arg0: i32) -> (i32, i32, i32) {
    %c0_i32 = arith.constant 0 : i32
    %c0_i32_0 = arith.constant 0 : i32
    %c0_i32_1 = arith.constant 0 : i32
    %c0_i32_2 = arith.constant 0 : i32
    return %c0_i32, %c0_i32_0, %c0_i32_1 : i32, i32, i32
  }
  func.func @transform_11(%arg0: i32) -> (i32, i32, i32) {
    %c0_i32 = arith.constant 0 : i32
    %c0_i32_0 = arith.constant 0 : i32
    %c0_i32_1 = arith.constant 0 : i32
    %c0_i32_2 = arith.constant 0 : i32
    return %c0_i32, %c0_i32_0, %c0_i32_1 : i32, i32, i32
  }
}

module attributes {stable_mosaic.version = 14 : i64} {
  func.func @_d_body(%arg0: memref<200x2048xf32, #tpu.memory_space<vmem>>, %arg1: memref<2048x1024xf32, #tpu.memory_space<vmem>>, %arg2: memref<1x1024xf32, #tpu.memory_space<vmem>>, %arg3: memref<1024x100xf32, #tpu.memory_space<vmem>>, %arg4: memref<1x100xf32, #tpu.memory_space<vmem>>, %arg5: memref<2x100x200xf32, #tpu.memory_space<vmem>>, %arg6: memref<100x1xf32, #tpu.memory_space<vmem>>, %arg7: memref<2x200x1xf32, #tpu.memory_space<vmem>>, %arg8: memref<1x1xf32, #tpu.memory_space<vmem>>, %arg9: memref<200x100xf32, #tpu.memory_space<vmem>>, %arg10: memref<100x1xf32, #tpu.memory_space<vmem>>) attributes {dimension_semantics = [], scalar_prefetch = 0 : i64, scratch_operands = 0 : i64, tpu.core_type = #tpu.core_type<tc>} {
    %get3A = arith.constant 0 : index
    %get3A_0 = arith.constant 0 : index
    %get3A_1 = vector.load %arg0[%get3A, %get3A_0] : memref<200x2048xf32, #tpu.memory_space<vmem>>, vector<200x2048xf32>
    %mul3A = arith.constant 0.999994993 : f32
    %mul3A_2 = vector.broadcast %mul3A : f32 to vector<200x2048xf32>
    %mul3A_3 = arith.mulf %get3A_1, %mul3A_2 : vector<200x2048xf32>
    %get3A_4 = arith.constant 0 : index
    %get3A_5 = arith.constant 0 : index
    %get3A_6 = vector.load %arg1[%get3A_4, %get3A_5] : memref<2048x1024xf32, #tpu.memory_space<vmem>>, vector<2048x1024xf32>
    %dot_general3A = arith.constant dense<0.000000e+00> : vector<200x1024xf32>
    %dot_general3A_7 = tpu.matmul %mul3A_3, %get3A_6, %dot_general3A {dimension_numbers = #tpu.dot_dimension_numbers<[1], [0], [0], [1], [0, 0, 1, 1], [], []>, transpose_lhs_hint = false} : vector<200x2048xf32>, vector<2048x1024xf32>, vector<200x1024xf32> -> vector<200x1024xf32>
    %get3A_8 = arith.constant 0 : index
    %get3A_9 = arith.constant 0 : index
    %get3A_10 = vector.load %arg2[%get3A_8, %get3A_9] : memref<1x1024xf32, #tpu.memory_space<vmem>>, vector<1x1024xf32>
    %add3A = vector.broadcast %get3A_10 : vector<1x1024xf32> to vector<200x1024xf32>
    %add3A_11 = arith.addf %dot_general3A_7, %add3A : vector<200x1024xf32>
    %mul3A_12 = arith.constant 0.999994993 : f32
    %mul3A_13 = vector.broadcast %mul3A_12 : f32 to vector<200x1024xf32>
    %mul3A_14 = arith.mulf %add3A_11, %mul3A_13 : vector<200x1024xf32>
    %max3A = arith.constant 0.000000e+00 : f32
    %max3A_15 = vector.broadcast %max3A : f32 to vector<200x1024xf32>
    %max3A_16 = arith.maximumf %mul3A_14, %max3A_15 : vector<200x1024xf32>
    %get3A_17 = arith.constant 0 : index
    %get3A_18 = arith.constant 0 : index
    %get3A_19 = vector.load %arg3[%get3A_17, %get3A_18] : memref<1024x100xf32, #tpu.memory_space<vmem>>, vector<1024x100xf32>
    %dot_general3A_20 = arith.constant dense<0.000000e+00> : vector<200x100xf32>
    %dot_general3A_21 = tpu.matmul %max3A_16, %get3A_19, %dot_general3A_20 {dimension_numbers = #tpu.dot_dimension_numbers<[1], [0], [0], [1], [0, 0, 1, 1], [], []>, transpose_lhs_hint = false} : vector<200x1024xf32>, vector<1024x100xf32>, vector<200x100xf32> -> vector<200x100xf32>
    %get3A_22 = arith.constant 0 : index
    %get3A_23 = arith.constant 0 : index
    %get3A_24 = vector.load %arg4[%get3A_22, %get3A_23] : memref<1x100xf32, #tpu.memory_space<vmem>>, vector<1x100xf32>
    %add3A_25 = vector.broadcast %get3A_24 : vector<1x100xf32> to vector<200x100xf32>
    %add3A_26 = arith.addf %dot_general3A_21, %add3A_25 : vector<200x100xf32>
    %mul3A_27 = arith.constant 0.999994993 : f32
    %mul3A_28 = vector.broadcast %mul3A_27 : f32 to vector<200x100xf32>
    %mul3A_29 = arith.mulf %add3A_26, %mul3A_28 : vector<200x100xf32>
    %max3A_30 = arith.constant 0.000000e+00 : f32
    %max3A_31 = vector.broadcast %max3A_30 : f32 to vector<200x100xf32>
    %max3A_32 = arith.maximumf %mul3A_29, %max3A_31 : vector<200x100xf32>
    %swap3A = arith.constant 0 : index
    %swap3A_33 = arith.constant 0 : index
    %swap3A_34 = vector.load %arg9[%swap3A, %swap3A_33] : memref<200x100xf32, #tpu.memory_space<vmem>>, vector<200x100xf32>
    tpu.vector_store %arg9[%swap3A, %swap3A_33], %max3A_32 {strides = array<i32>} : memref<200x100xf32, #tpu.memory_space<vmem>>, vector<200x100xf32>,
    %slice3A = vector.extract_strided_slice %max3A_32 {offsets = [0, 0], sizes = [100, 100], strides = [1, 1]} : vector<200x100xf32> to vector<100x100xf32>
    %get3A_35 = arith.constant 0 : index
    %get3A_36 = arith.constant 0 : index
    %get3A_37 = vector.load %arg6[%get3A_35, %get3A_36] : memref<100x1xf32, #tpu.memory_space<vmem>>, vector<100x1xf32>
    %dot_general3A_38 = arith.constant dense<0.000000e+00> : vector<100x1xf32>
    %dot_general3A_39 = tpu.matmul %slice3A, %get3A_37, %dot_general3A_38 {dimension_numbers = #tpu.dot_dimension_numbers<[1], [0], [0], [1], [0, 0, 1, 1], [], []>, transpose_lhs_hint = false} : vector<100x100xf32>, vector<100x1xf32>, vector<100x1xf32> -> vector<100x1xf32>
    %get3A_40 = arith.constant 0 : index
    %get3A_41 = arith.constant 0 : index
    %get3A_42 = arith.constant 0 : index
    %get3A_43 = vector.load %arg5[%get3A_40, %get3A_41, %get3A_42] : memref<2x100x200xf32, #tpu.memory_space<vmem>>, vector<1x100x200xf32>
    %get3A_44 = vector.shape_cast %get3A_43 : vector<1x100x200xf32> to vector<100x200xf32>
    %get3A_45 = arith.constant 0 : index
    %get3A_46 = arith.constant 0 : index
    %get3A_47 = arith.constant 0 : index
    %get3A_48 = vector.load %arg7[%get3A_45, %get3A_46, %get3A_47] : memref<2x200x1xf32, #tpu.memory_space<vmem>>, vector<1x200x1xf32>
    %get3A_49 = vector.shape_cast %get3A_48 : vector<1x200x1xf32> to vector<200x1xf32>
    %dot_general3A_50 = arith.constant dense<0.000000e+00> : vector<100x1xf32>
    %dot_general3A_51 = tpu.matmul %get3A_44, %get3A_49, %dot_general3A_50 {dimension_numbers = #tpu.dot_dimension_numbers<[1], [0], [0], [1], [0, 0, 1, 1], [], []>, transpose_lhs_hint = false} : vector<100x200xf32>, vector<200x1xf32>, vector<100x1xf32> -> vector<100x1xf32>
    %add3A_52 = arith.addf %dot_general3A_39, %dot_general3A_51 : vector<100x1xf32>
    %get3A_53 = arith.constant 1 : index
    %get3A_54 = arith.constant 0 : index
    %get3A_55 = arith.constant 0 : index
    %get3A_56 = vector.load %arg5[%get3A_53, %get3A_54, %get3A_55] : memref<2x100x200xf32, #tpu.memory_space<vmem>>, vector<1x100x200xf32>
    %get3A_57 = vector.shape_cast %get3A_56 : vector<1x100x200xf32> to vector<100x200xf32>
    %get3A_58 = arith.constant 1 : index
    %get3A_59 = arith.constant 0 : index
    %get3A_60 = arith.constant 0 : index
    %get3A_61 = vector.load %arg7[%get3A_58, %get3A_59, %get3A_60] : memref<2x200x1xf32, #tpu.memory_space<vmem>>, vector<1x200x1xf32>
    %get3A_62 = vector.shape_cast %get3A_61 : vector<1x200x1xf32> to vector<200x1xf32>
    %dot_general3A_63 = arith.constant dense<0.000000e+00> : vector<100x1xf32>
    %dot_general3A_64 = tpu.matmul %get3A_57, %get3A_62, %dot_general3A_63 {dimension_numbers = #tpu.dot_dimension_numbers<[1], [0], [0], [1], [0, 0, 1, 1], [], []>, transpose_lhs_hint = false} : vector<100x200xf32>, vector<200x1xf32>, vector<100x1xf32> -> vector<100x1xf32>
    %add3A_65 = arith.addf %add3A_52, %dot_general3A_64 : vector<100x1xf32>
    %get3A_66 = arith.constant 0 : index
    %get3A_67 = arith.constant 0 : index
    %get3A_68 = vector.load %arg8[%get3A_66, %get3A_67] : memref<1x1xf32, #tpu.memory_space<vmem>>, vector<1x1xf32>
    %add3A_69 = vector.broadcast %get3A_68 : vector<1x1xf32> to vector<100x1xf32>
    %add3A_70 = arith.addf %add3A_65, %add3A_69 : vector<100x1xf32>
    %swap3A_71 = arith.constant 0 : index
    %swap3A_72 = arith.constant 0 : index
    %swap3A_73 = vector.load %arg10[%swap3A_71, %swap3A_72] : memref<100x1xf32, #tpu.memory_space<vmem>>, vector<100x1xf32>
    tpu.vector_store %arg10[%swap3A_71, %swap3A_72], %add3A_70 {strides = array<i32>} : memref<100x1xf32, #tpu.memory_space<vmem>>, vector<100x1xf32>,
    return
  }
}

</mosaic_0001>

<sc_bundles>
// kernel: kernel.6.cloned.1.call-start
scs
__scs_entry_jumppad:
0x0: {  	(pc) =	sbr.rel $0x88, $3  }
0x1: {  	(tag) =	ssettag $0x0;
	lr =	simm.s32 $0x1  }
0x2: {  	[smem:$0x3F92] =	sst lr;
	_ =	strace $0xD0000000  }
0x3: {  	_ = 	snop  }
0x4: {  	_ = 	snop  }
0x5: {  	_ = 	snop  }
0x6: {  	_ = 	snop  }
0x7: {  	_ = 	snop  }
__scs_overlays_trampoline_lowered:
0x8: {  	[smem:$0x3FA1] =	sst s0  }
0x9: {  	[smem:$0x3FA2] =	sst s1  }
0xa: {  	[smem:$0x3FA3] =	sst s2  }
0xb: {  	[smem:$0x3FA4] =	sst s3  }
0xc: {  	[smem:$0x3FA5] =	sst s4  }
0xd: {  	[smem:$0x3FA6] =	sst s5  }
0xe: {  	[smem:$0x3FA7] =	sst s6  }
0xf: {  	[smem:$0x3FA8] =	sst s7  }
0x10: {  	[smem:$0x3FA9] =	sst s8  }
0x11: {  	[smem:$0x3FAA] =	sst s9;
	s0 =	simm.s32 @!p0 $0x0  }
0x12: {  	s1 =	sld [smem:$0x3F90];
	s0 =	simm.s32 @p0 $0x1  }
0x13: {  	[smem:$0x3FAB] =	sst s0;
	s0 =	simm.s32 @!p1 $0x0  }
0x14: {  	s2 =	sld [smem:$0x3F8F];
	s0 =	simm.s32 @p1 $0x1  }
0x15: {  	[smem:$0x3FAC] =	sst s0;
	s0 =	simm.s32 @!p2 $0x0  }
0x16: {  	s3 =	sld [smem:$0x3FDB];
	s0 =	simm.s32 @p2 $0x1  }
0x17: {  	s4 =	simm.s32 $0x1BF5;
	[smem:$0x3FAE] =	sst s0  }
0x18: {  	s0 =	sld [smem:$0x3F91];
	_ =	swait.ge [sflag:s4], $0x0  }
0x19: {  	s7 =	sld [smem:$0x3F92]  }
0x1a: {  	s8 =	sadd.s32 $0xFFFFE003, lr  }
0x1b: {  	s9 =	sadd.s32 $0xFFFFFEF7, lr;
	s5 =	simm.s32 $0xFFFFFFFF;
	p2 =	slt.u32 s8, $0xFFFFF086  }
0x1c: {  	p1 =	slt.u32 s9, $0xF7A;
	s5 =	simm.s32 @!p2 $0x0  }
0x1d: {  	s5 =	simm.s32 @p1 $0x1;
	p0 =	seq.s32 s7, s2  }
0x1e: {  	s7 =	smul.u32 @!p0 $0xF7A, s2;
	p2 =	seq.s32 @!p0 s5, $0x0  }
0x1f: {  	s9 =	smul.u32 $0xF7A, s1;
	s8 =	simm.s32 @!p0 $0x1BF5;
	p2 =	por !p2, p0  }
0x20: {  	[sflag:s8] =	ssyncset.s32 @!p0 $0xFFFFF086;
	s6 =	sadd.s32 @!p0 s3, s7;
	s7 =	simm.s32 @!p0 $0x108  }
0x21: {  	s3 =	sadd.s32 s3, s9;
	s6 =	sadd.s32 @!p0 $0x88, s6;
	s7 =	simm.s32 @p2 $0x1082  }
0x22: {  	[simem:s7], [sflag:s8] =	dma.local @!p0 [hbm:s6], $0xF7A  }
0x23: {  	s9 =	sor.u32 $0xD0000000, s2;
	s6 =	simm.s32 $0x108;
	_ =	swait.ge @!p0 [sflag:s8], $0x0  }
0x24: {  	s3 =	sadd.s32 $0x88, s3;
	s6 =	simm.s32 @!p1 $0x1082;
	[sflag:s4] =	ssyncset.s32 $0xFFFFF086  }
0x25: {  	[simem:s6], [sflag:s4] =	dma.local [hbm:s3], $0xF7A  }
0x26: {  	[smem:$0x3F92] =	sst s1;
	(tag) =	ssettag s2;
	_ =	strace s9  }
0x27: {  	s1 =	sld [smem:$0x3FA2]  }
0x28: {  	s2 =	sld [smem:$0x3FA3]  }
0x29: {  	s4 =	sld [smem:$0x3FA5]  }
0x2a: {  	p0 =	seq.s32 s5, $0x0;
	s5 =	sld [smem:$0x3FA6]  }
0x2b: {  	s6 =	sld [smem:$0x3FA7]  }
0x2c: {  	s7 =	sld [smem:$0x3FA8]  }
0x2d: {  	s3 =	simm.s32 $0x108;
	s8 =	sld [smem:$0x3FA9]  }
0x2e: {  	s3 =	simm.s32 @!p0 $0x1082;
	s9 =	sld [smem:$0x3FAA]  }
0x2f: {  	lr =	sadd.s32 s0, s3;
	s0 =	sld [smem:$0x3FA1]  }
0x30: {  	s3 =	sld [smem:$0x3FA4]  }
0x31: {  	[smem:$0x3FAD] =	sst s10  }
0x32: {  	s10 =	sld [smem:$0x3FAB];
	_ =	sdelay $0x3  }
0x33: {  	p0 =	seq.s32 s10, $0x1;
	s10 =	sld [smem:$0x3FAD];
	_ =	sdelay $0x3  }
0x34: {  	[smem:$0x3FAD] =	sst s10  }
0x35: {  	s10 =	sld [smem:$0x3FAC];
	_ =	sdelay $0x3  }
0x36: {  	p1 =	seq.s32 s10, $0x1;
	s10 =	sld [smem:$0x3FAD];
	_ =	sdelay $0x3  }
0x37: {  	[smem:$0x3FAD] =	sst s10  }
0x38: {  	s10 =	sld [smem:$0x3FAE]  }
0x39: {  	_ = 	snop;
	(pc) =	sbr.ind lr, $3  }
0x3a: {  	_ = 	snop  }
0x3b: {  	_ = 	snop  }
0x3c: {  	p2 =	seq.s32 s10, $0x1;
	s10 =	sld [smem:$0x3FAD]  }
0x3d: {  	_ =	shalt  }
0x3e: {  	_ =	shalt  }
0x3f: {  	_ =	shalt  }
0x40: {  	_ =	shalt  }
0x41: {  	_ =	shalt  }
0x42: {  	_ =	shalt  }
0x43: {  	_ =	shalt  }
0x44: {  	_ =	shalt  }
0x45: {  	_ =	shalt  }
0x46: {  	_ =	shalt  }
0x47: {  	_ =	shalt  }
0x48: {  	_ =	shalt  }
0x49: {  	_ =	shalt  }
0x4a: {  	_ =	shalt  }
0x4b: {  	_ =	shalt  }
0x4c: {  	_ =	shalt  }
0x4d: {  	_ =	shalt  }
0x4e: {  	_ =	shalt  }
0x4f: {  	_ =	shalt  }
0x50: {  	_ =	shalt  }
0x51: {  	_ =	shalt  }
0x52: {  	_ =	shalt  }
0x53: {  	_ =	shalt  }
0x54: {  	_ =	shalt  }
0x55: {  	_ =	shalt  }
0x56: {  	_ =	shalt  }
0x57: {  	_ =	shalt  }
0x58: {  	_ =	shalt  }
0x59: {  	_ =	shalt  }
0x5a: {  	_ =	shalt  }
0x5b: {  	_ =	shalt  }
0x5c: {  	_ =	shalt  }
0x5d: {  	_ =	shalt  }
0x5e: {  	_ =	shalt  }
0x5f: {  	_ =	shalt  }
0x60: {  	_ =	shalt  }
0x61: {  	_ =	shalt  }
0x62: {  	_ =	shalt  }
0x63: {  	_ =	shalt  }
0x64: {  	_ =	shalt  }
0x65: {  	_ =	shalt  }
0x66: {  	_ =	shalt  }
0x67: {  	_ =	shalt  }
0x68: {  	_ =	shalt  }
0x69: {  	_ =	shalt  }
0x6a: {  	_ =	shalt  }
0x6b: {  	_ =	shalt  }
0x6c: {  	_ =	shalt  }
0x6d: {  	_ =	shalt  }
0x6e: {  	_ =	shalt  }
0x6f: {  	_ =	shalt  }
0x70: {  	_ =	shalt  }
0x71: {  	_ =	shalt  }
0x72: {  	_ =	shalt  }
0x73: {  	_ =	shalt  }
0x74: {  	_ =	shalt  }
0x75: {  	_ =	shalt  }
0x76: {  	_ =	shalt  }
0x77: {  	_ =	shalt  }
0x78: {  	_ =	shalt  }
0x79: {  	_ =	shalt  }
0x7a: {  	_ =	shalt  }
0x7b: {  	_ =	shalt  }
0x7c: {  	_ =	shalt  }
0x7d: {  	_ =	shalt  }
0x7e: {  	_ =	shalt  }
0x7f: {  	_ =	shalt  }
0x80: {  	_ =	shalt  }
0x81: {  	_ =	shalt  }
0x82: {  	_ =	shalt  }
0x83: {  	_ =	shalt  }
0x84: {  	_ =	shalt  }
0x85: {  	_ =	shalt  }
0x86: {  	_ =	shalt  }
0x87: {  	_ =	shalt  }
.Lfunc_end0:
.L_simem_size_0:
called_computation_lowered:
.L_overlay_start_0:
0x88: {  	s2 =	sld [smem:$0x3FD9]  }
0x89: {  	s3 =	sld [smem:$0x3FFE];
	_ =	sdelay $0x1  }
0x8a: {  	s1 =	srdreg.scid  }
0x8b: {  	s0 =	sand.u32 $0x1, s1  }
0x8c: {  	s16 =	sshll.u32 s0, $0xA;
	s2 =	sadd.s32 s3, s2  }
0x8d: {  	s2 =	sadd.s32 s2, s16  }
0x8e: {  	[smem:$0x3FB9] =	sst s2  }
0x8f: {  	_ = 	snop  }
0x90: {  	(tm) =	ssettm $0x1  }
0x91: {  	s17 =	sld [smem:$0x3FFB];
	_ =	sdelay $0x3  }
0x92: {  	_ =	strace s17  }
0x93: {  	s2 =	sld [smem:$0x3FFC];
	_ =	sdelay $0x3  }
0x94: {  	_ =	strace s2  }
0x95: {  	s2 =	sld [smem:$0x3FFD];
	_ =	sdelay $0x3  }
0x96: {  	_ =	strace s2  }
0x97: {  	_ =	strace $0x8FFFFFFF  }
0x98: {  	s18 =	sld [smem:$0x3FDB];
	_ =	sdelay $0x1  }
0x99: {  	s19 =	simm.s32 $_scs_section_size  }
0x9a: {  	s4 =	simm.s32 $_size__tile_overlayer_lowered;
	s5 =	simm.s32 $_tile_overlayer_lowered  }
0x9b: {  	s22 =	simm.s32 $0x1BFF;
	s21 =	sshll.u32 s5, $0x1;
	s2 =	sadd.s32 s19, s18  }
0x9c: {  	s6 =	simm.s32 $0x0;
	s20 =	sshll.u32 s4, $0x1;
	s4 =	sadd.s32 s21, s2  }
0x9d: {  	[timem:s6], [sflag:s22] =	dma.local [hbm:s4], s20  }
0x9e: {  	_ =	swait.ge [sflag:s22], s20  }
0x9f: {  	s3 =	ssub.s32 $0x0, s20;
	[sflag:s22] =	ssyncset.done $0x0  }
0xa0: {  	[sflag:s22] =	ssyncadd.s32 s3;
	_ =	sdelay $0x1  }
0xa1: {  	s23 =	simm.s32 $0x1B8B  }
0xa2: {  	_ =	swait.ge [sflag:s23], $0x1  }
0xa3: {  	[sflag:s23] =	ssyncset.done $0x0  }
0xa4: {  	s25 =	simm.s32 $0x1B8E;
	s24 =	sld [smem:$0x3FFE];
	[sflag:s23] =	ssyncadd.s32 $0xFFFFFFFF  }
0xa5: {  	s26 =	simm.s32 $execute0_lowered;
	[smem:$0x3FD2] =	sst s25  }
0xa6: {  	s4 =	sshll.u32 s26, $0x1;
	_ =	strace $0x80000046;
	[dreg:$0x1] =	wrdreg $0xFFFFFFFF  }
0xa7: {  	s28 =	simm.s32 $_size_execute0_lowered;
	s2 =	sadd.s32 s2, s4;
	[dreg:$0x0] =	wrdreg $0x0  }
0xa8: {  	s4 =	sshll.u32 s28, $0x1;
	[dreg:$0x2] =	wrdreg s2  }
0xa9: {  	[dreg:$0x3] =	wrdreg s4  }
0xaa: {  	[dreg:$0x4] =	wrdreg $0xC0  }
0xab: {  	_ =	task [dreg:s6], $0x5FFFF  }
0xac: {  	[dreg:$0x1] =	wrdreg $0xFFFFFFFF  }
0xad: {  	[dreg:$0x0] =	wrdreg $0x60  }
0xae: {  	[dreg:$0x2] =	wrdreg s24  }
0xaf: {  	[dreg:$0x3] =	wrdreg $0xB8000  }
0xb0: {  	[dreg:$0x4] =	wrdreg $0x9  }
0xb1: {  	_ =	task.clear_ibuf [dreg:s6], $0x5FFFF;
	_ =	strace $0x90000046  }
0xb2: {  	s29 =	simm.s32 $0x9;
	_ =	strace $0x80000048  }
0xb3: {  	_ =	swait.ge [sflag:s29], $0x1  }
0xb4: {  	[sflag:s29] =	ssyncadd.s32 $0xFFFFFFFF  }
0xb5: {  	_ =	strace $0x90000048  }
0xb6: {  	_ =	sfence  }
0xb7: {  	s30 =	sld [smem:$0x0];
	_ =	sdelay $0x2  }
0xb8: {  	s31 =	sshll.u32 s1, $0xD;
	s1 =	sshrl.u32 s1, $0x2  }
0xb9: {  	s3 =	sand.u32 $0x4000, s31;
	s1 =	sadd.s32 s1, s30  }
0xba: {  	s0 =	sor.u32 s3, s0;
	s1 =	sshll.u32 s1, $0x11  }
0xbb: {  	s0 =	sor.u32 s1, s0  }
0xbc: {  	s0 =	sadd.s32 $0x8F2B, s0  }
0xbd: {  	[sflag:s0] =	ssyncadd.remote.s32 $0x1  }
0xbe: {  	_ =	sfence.sel $0xFFFF  }
0xbf: {  	[dreg:$0x0] =	wrdreg $0xFFFFFFFF;
	(pc) =	sbr.abs _section_cstart, $3  }
0xc0: {  	[dreg:$0x1] =	wrdreg $0xFFFFFFFF  }
0xc1: {  	_ =	task.clear_ibuf [dreg:s6], $0x2FFFF;
	_ =	strace $0x9FFFFFFF  }
0xc2: {  	(tm) =	ssettm $0x7FFFFFFF  }
0xc3: {  	_ =	shalt  }
tec
execute0_lowered:
.L_overlay_start_1:
0x0: {  	(tag) =	ssettag $0x1  }
0x1: {  	s0 =	rddreg [dreg:$0x0]  }
0x2: {  	s1 =	rddreg [dreg:$0x1]  }
0x3: {  	s2 =	srdreg.scid;
	s3 =	simm.s32 $0x0;
	s11 =	stileid.u32  }
0x4: {  	s17 =	simm.s32 $0x80;
	s18 =	simm.s32 $0x3800;
	s19 =	simm.s32 $0x7800  }
0x5: {  	s20 =	simm.s32 $0x1;
	s21 =	simm.s32 $0x3;
	s6 =	smul.u32 $0x13C00, s11  }
0x6: {  	s22 =	simm.s32 $0x2;
	s2 =	sand.u32 $0x1, s2;
	s10 =	smul.u32 $0x4F000, s11  }
0x7: {  	[smem:$0x7FF] =	sst s3;
	s4 =	sadd.s32 $0x16E00, s0;
	s28 =	smul.u32 $0x30, s11  }
0x8: {  	s8 =	sadd.s32 $0xCA00, s0;
	s26 =	sshll.u32 s11, $0x6;
	s11 =	smul.u32 $0x70, s11  }
0x9: {  	s9 =	sadd.s32 $0x2600, s0;
	s12 =	sadd.s32 $0x3E000, s0;
	s5 =	smul.u32 $0x13C000, s2  }
0xa: {  	_ =	strace $0x80000047;
	s23 =	ssub.s32 $0x2, s2;
	[dreg:$0x3] =	wrdreg s12  }
0xb: {  	p0 =	seq.s32 s2, $0x0;
	s7 =	sshrl.u32 s23, $0x1;
	s25 =	sshrl.u32 s10, $0x2  }
0xc: {  	s2 =	sadd.s32 $0x700, s28;
	s10 =	sadd.s32 $0x718, s28;
	s5 =	sadd.s32 s6, s5  }
0xd: {  	s24 =	ssub.s32 s23, s7;
	s15 =	sadd.s32 s25, s1;
	s6 =	sor.u32 $0x1C03, s26  }
0xe: {  	s7 =	simm.s32 $0x38;
	s2 =	smov.u32 @p0 s11;
	s11 =	sadd.s32 $0x38, s11  }
0xf: {  	s23 =	simm.s32 $0x0;
	s5 =	sshrl.u32 s5, $0x3;
	s7 =	simm.s32 @!p0 $0x18  }
0x10: {  	s2 =	sshll.u32 s2, $0x4;
	s10 =	smov.u32 @p0 s11;
	s13 =	smax.u32 s24, $0x1  }
0x11: {  	s15 =	sshrl.u32 s15, $0x3;
	s0 =	sadd.s32 s5, s0;
	s29 =	sadd.s32 s8, s2  }
0x12: {  	s2 =	sadd.s32 s9, s2;
	s30 =	sshll.u32 s10, $0x4;
	[dreg:$0x4] =	wrdreg s29  }
0x13: {  	s31 =	sshll.u32 s7, $0x9;
	[dreg:$0x5] =	wrdreg s2;
	s8 =	sadd.s32 s8, s30  }
0x14: {  	s10 =	simm.s32 $0x1C00;
	s2 =	sadd.s32 s9, s30;
	[dreg:$0x6] =	wrdreg s8  }
0x15: {  	s12 =	sadd.s32 $0x40800, s0;
	s14 =	sadd.s32 $0xFFFFFC00, s31;
	[dreg:$0x7] =	wrdreg s2  }
.LBB2_1:
0x16: {  	s0 =	rddreg [dreg:$0x3]  }
0x17: {  	[spmem:s15], [sflag:s6] =	dma.local [hbm:s0], $0x2780  }
0x18: {  	_ =	swait.ge [sflag:s21], $0x2780  }
0x19: {  	[sflag:s21] =	ssyncset.done $0x0  }
0x1a: {  	[sflag:s21] =	ssyncadd.s32 $0xFFFFD880  }
0x1b: {  	[bflag:$0x0] =	sbarrier.arrive $0xFFFF  }
0x1c: {  	s28 =	rddreg [dreg:$0x4]  }
0x1d: {  	[tilespmem:s3], [sflag:$0x3] =	stream.linear.gather [hbm4b:s28+s3], $0x1C00, $0x38;
	[tilespmem:$0x1F400] =	vst v63  }
0x1e: {  	_ =	swait.ge [sflag:s21], $0x1C00  }
0x1f: {  	[sflag:s21] =	ssyncset.done $0x0  }
0x20: {  	s29 =	rddreg [dreg:$0x5];
	[sflag:s21] =	ssyncadd.s32 $0xFFFFE400  }
0x21: {  	[tilespmem:s10], [sflag:$0x3] =	stream.linear.gather [hbm4b:s29+s3], $0x1C00, $0x38;
	[tilespmem:$0x1F400] =	vst v63  }
0x22: {  	_ =	swait.ge [sflag:s21], $0x1C00  }
0x23: {  	[sflag:s21] =	ssyncset.done $0x0  }
0x24: {  	[sflag:s21] =	ssyncadd.s32 $0xFFFFE400  }
0x25: {  	[tilespmem:s18], [sflag:$0x1] =	stream.indirect.gather [hbm4b:s4+s17], $0x80, s3, s17, $0xb8;
	[tilespmem:$0x1F400] =	vst v63  }
0x26: {  	_ = 	snop  }
0x27: {  	[tilespmem:s19], [sflag:$0x2] =	stream.indirect.gather [hbm4b:s4+s17], $0x80, s17, s17, $0xb8;
	[tilespmem:$0x1F400] =	vst v63  }
0x28: {  	p0 =	sle.u32 s7, $0x2;
	_ =	swait.ge [sflag:s20], $0x4000  }
0x29: {  	s0 =	simm.s32 @!p0 $0x3800;
	[sflag:s20] =	ssyncset.done $0x0  }
0x2a: {  	s2 =	simm.s32 @!p0 $0x100;
	s5 =	simm.s32 @!p0 $0x80;
	[sflag:s20] =	ssyncadd.s32 $0xFFFFC000  }
0x2b: {  	[tilespmem:s0], [sflag:$0x1] =	stream.indirect.gather @!p0 [hbm4b:s4+s5], $0x80, s2, s5, $0xb8;
	[tilespmem:$0x1F400] =	vst v63  }
0x2c: {  	s30 =	simm.s32 $0x1C00  }
0x2d: {  	[spmem:s1] =	stream.indirect.scatter.add.f32 [tilespmem:s18], [sflag:$0x3], $0x80, s30, s17, $0xb8;
	[tilespmem:$0x1F400] =	vst v63  }
0x2e: {  	_ =	swait.ge [sflag:s21], $0x4000  }
0x2f: {  	[sflag:s21] =	ssyncset.done $0x0  }
0x30: {  	[sflag:s21] =	ssyncadd.s32 $0xFFFFC000  }
0x31: {  	p0 =	sle.u32 s7, $0x3;
	_ =	swait.ge [sflag:s22], $0x4000  }
0x32: {  	s0 =	simm.s32 @!p0 $0x7800;
	[sflag:s22] =	ssyncset.done $0x0  }
0x33: {  	s2 =	simm.s32 @!p0 $0x180;
	s5 =	simm.s32 @!p0 $0x80;
	[sflag:s22] =	ssyncadd.s32 $0xFFFFC000  }
0x34: {  	[tilespmem:s0], [sflag:$0x2] =	stream.indirect.gather @!p0 [hbm4b:s4+s5], $0x80, s2, s5, $0xb8;
	[tilespmem:$0x1F400] =	vst v63  }
0x35: {  	p0 =	sne.s32 s14, $0x400  }
.Ltmp0:
0x36: {  	_ = 	snop;
	(pc) =	sbr.rel @!p0 .LBB2_3-.Ltmp0, $4  }
0x37: {  	s31 =	simm.s32 $0x1C80  }
0x38: {  	[spmem:s1] =	stream.indirect.scatter.add.f32 [tilespmem:s19], [sflag:$0x3], $0x80, s31, s17, $0xb8;
	[tilespmem:$0x1F400] =	vst v63  }
0x39: {  	s25 =	simm.s32 $0x2;
	s24 =	simm.s32 $0x1;
	_ =	swait.ge [sflag:s21], $0x4000  }
0x3a: {  	s0 =	simm.s32 $0x400;
	s2 =	simm.s32 $0x3;
	[sflag:s21] =	ssyncset.done $0x0  }
.LBB2_2:
0x3b: {  	s24 =	smov.u32 s25;
	s2 =	sadd.s32 $0x2, s2  }
0x3c: {  	s5 =	smov.u32 s0;
	s0 =	sadd.s32 $0x400, s0;
	[sflag:s21] =	ssyncadd.s32 $0xFFFFC000  }
0x3d: {  	s8 =	sadd.s32 $0xFFFFFFFF, s2;
	p0 =	sne.s32 s14, s0  }
0x3e: {  	p1 =	sge.u32 s8, s7;
	s8 =	sshra.s32 s5, $0x2;
	_ =	swait.ge [sflag:s20], $0x4000  }
0x3f: {  	s9 =	sshra.s32 @!p1 s5, $0x2;
	s26 =	simm.s32 @!p1 $0x3800;
	[sflag:s20] =	ssyncset.done $0x0  }
0x40: {  	s28 =	simm.s32 @!p1 $0x80;
	s9 =	sadd.s32 @!p1 $0x100, s9;
	[sflag:s20] =	ssyncadd.s32 $0xFFFFC000  }
0x41: {  	[tilespmem:s26], [sflag:$0x1] =	stream.indirect.gather @!p1 [hbm4b:s4+s28], $0x80, s9, s28, $0xb8;
	[tilespmem:$0x1F400] =	vst v63  }
0x42: {  	s9 =	sadd.s32 $0x1C00, s8  }
0x43: {  	[spmem:s1] =	stream.indirect.scatter.add.f32 [tilespmem:s18], [sflag:$0x3], $0x80, s9, s17, $0xb8;
	[tilespmem:$0x1F400] =	vst v63  }
0x44: {  	_ =	swait.ge [sflag:s21], $0x4000  }
0x45: {  	[sflag:s21] =	ssyncset.done $0x0  }
0x46: {  	[sflag:s21] =	ssyncadd.s32 $0xFFFFC000  }
0x47: {  	p1 =	sge.u32 s2, s7;
	_ =	swait.ge [sflag:s22], $0x4000  }
0x48: {  	s5 =	sshra.s32 @!p1 s5, $0x2;
	s9 =	simm.s32 @!p1 $0x7800;
	[sflag:s22] =	ssyncset.done $0x0  }
0x49: {  	s26 =	simm.s32 @!p1 $0x80;
	s5 =	sadd.s32 @!p1 $0x180, s5;
	[sflag:s22] =	ssyncadd.s32 $0xFFFFC000  }
0x4a: {  	[tilespmem:s9], [sflag:$0x2] =	stream.indirect.gather @!p1 [hbm4b:s4+s26], $0x80, s5, s26, $0xb8;
	[tilespmem:$0x1F400] =	vst v63  }
.Ltmp1:
0x4b: {  	_ = 	snop;
	(pc) =	sbr.rel @p0 .LBB2_2-.Ltmp1, $4  }
0x4c: {  	s5 =	sadd.s32 $0x1C80, s8  }
0x4d: {  	[spmem:s1] =	stream.indirect.scatter.add.f32 [tilespmem:s19], [sflag:$0x3], $0x80, s5, s17, $0xb8;
	[tilespmem:$0x1F400] =	vst v63  }
0x4e: {  	_ =	swait.ge [sflag:s21], $0x4000  }
0x4f: {  	s25 =	sadd.s32 $0x1, s25;
	[sflag:s21] =	ssyncset.done $0x0  }
.LBB2_3:
0x50: {  	[sflag:s21] =	ssyncadd.s32 $0xFFFFC000;
	s2 =	sadd.s32 $0x2, s2  }
0x51: {  	_ =	swait.ge [sflag:s20], $0x4000;
	s5 =	sadd.s32 $0xFFFFFFFF, s2  }
0x52: {  	[sflag:s20] =	ssyncset.done $0x0;
	p0 =	sge.u32 s5, s7  }
0x53: {  	s8 =	sshra.s32 s0, $0x2;
	[sflag:s20] =	ssyncadd.s32 $0xFFFFC000;
	s5 =	sshra.s32 @!p0 s0, $0x2  }
0x54: {  	s26 =	simm.s32 @!p0 $0x80;
	s28 =	simm.s32 @!p0 $0x3800;
	s25 =	sadd.s32 @!p0 $0x100, s5  }
0x55: {  	[tilespmem:s28], [sflag:$0x1] =	stream.indirect.gather @!p0 [hbm4b:s4+s26], $0x80, s25, s26, $0xb8;
	[tilespmem:$0x1F400] =	vst v63  }
0x56: {  	s29 =	sadd.s32 $0x1C00, s8  }
0x57: {  	[spmem:s1] =	stream.indirect.scatter.add.f32 [tilespmem:s18], [sflag:$0x3], $0x80, s29, s17, $0xb8;
	[tilespmem:$0x1F400] =	vst v63  }
0x58: {  	_ =	swait.ge [sflag:s21], $0x4000  }
0x59: {  	[sflag:s21] =	ssyncset.done $0x0  }
0x5a: {  	[sflag:s21] =	ssyncadd.s32 $0xFFFFC000  }
0x5b: {  	p1 =	sge.u32 s2, s7;
	_ =	swait.ge [sflag:s22], $0x4000  }
0x5c: {  	s31 =	simm.s32 @!p1 $0x80;
	s0 =	sshra.s32 @!p1 s0, $0x2;
	[sflag:s22] =	ssyncset.done $0x0  }
0x5d: {  	s30 =	sadd.s32 @!p1 $0x180, s0;
	s0 =	simm.s32 @!p1 $0x7800;
	[sflag:s22] =	ssyncadd.s32 $0xFFFFC000  }
0x5e: {  	[tilespmem:s0], [sflag:$0x2] =	stream.indirect.gather @!p1 [hbm4b:s4+s31], $0x80, s30, s31, $0xb8;
	[tilespmem:$0x1F400] =	vst v63  }
0x5f: {  	s9 =	simm.s32 $0x3;
	s2 =	sadd.s32 $0x1C80, s8  }
0x60: {  	[spmem:s1] =	stream.indirect.scatter.add.f32 [tilespmem:s19], [sflag:$0x3], $0x80, s2, s17, $0xb8;
	[tilespmem:$0x1F400] =	vst v63  }
0x61: {  	_ =	swait.ge [sflag:s9], $0x4000  }
0x62: {  	[sflag:s9] =	ssyncset.done $0x0  }
0x63: {  	s8 =	rddreg [dreg:$0x6];
	[sflag:s9] =	ssyncadd.s32 $0xFFFFC000  }
0x64: {  	[tilespmem:s3], [sflag:$0x3] =	stream.linear.gather [hbm4b:s8+s3], $0x1C00, $0x38;
	[tilespmem:$0x1F400] =	vst v63  }
0x65: {  	_ =	swait.ge [sflag:s9], $0x1C00  }
0x66: {  	[sflag:s9] =	ssyncset.done $0x0  }
0x67: {  	s11 =	rddreg [dreg:$0x7];
	[sflag:s9] =	ssyncadd.s32 $0xFFFFE400  }
0x68: {  	[tilespmem:s10], [sflag:$0x3] =	stream.linear.gather [hbm4b:s11+s3], $0x1C00, $0x38;
	[tilespmem:$0x1F400] =	vst v63  }
0x69: {  	_ =	swait.ge [sflag:s9], $0x1C00  }
0x6a: {  	[sflag:s9] =	ssyncset.done $0x0  }
0x6b: {  	[sflag:s9] =	ssyncadd.s32 $0xFFFFE400  }
0x6c: {  	[tilespmem:s18], [sflag:$0x1] =	stream.indirect.gather [hbm4b:s4+s17], $0x80, s3, s17, $0xb8;
	[tilespmem:$0x1F400] =	vst v63  }
0x6d: {  	_ = 	snop  }
0x6e: {  	[tilespmem:s19], [sflag:$0x2] =	stream.indirect.gather [hbm4b:s4+s17], $0x80, s17, s17, $0xb8;
	[tilespmem:$0x1F400] =	vst v63  }
0x6f: {  	_ =	swait.ge [sflag:s20], $0x4000  }
0x70: {  	p2 =	sle.u32 s7, $0x2;
	s5 =	simm.s32 $0x100;
	[sflag:s20] =	ssyncset.done $0x0  }
0x71: {  	s8 =	simm.s32 @!p2 $0x80;
	s9 =	simm.s32 @!p2 $0x3800;
	[sflag:s20] =	ssyncadd.s32 $0xFFFFC000  }
0x72: {  	[tilespmem:s9], [sflag:$0x1] =	stream.indirect.gather @!p2 [hbm4b:s4+s8], $0x80, s5, s8, $0xb8;
	[tilespmem:$0x1F400] =	vst v63  }
0x73: {  	s16 =	simm.s32 $0x1C00  }
0x74: {  	[spmem:s1] =	stream.indirect.scatter.add.f32 [tilespmem:s18], [sflag:$0x3], $0x80, s16, s17, $0xb8;
	[tilespmem:$0x1F400] =	vst v63  }
0x75: {  	_ =	swait.ge [sflag:s21], $0x4000  }
0x76: {  	[sflag:s21] =	ssyncset.done $0x0  }
0x77: {  	[sflag:s21] =	ssyncadd.s32 $0xFFFFC000  }
0x78: {  	p2 =	sle.u32 s7, $0x3;
	_ =	swait.ge [sflag:s22], $0x4000  }
0x79: {  	s24 =	sadd.s32 $0xFFFFFFFF, s24;
	s5 =	simm.s32 @!p2 $0x180;
	[sflag:s22] =	ssyncset.done $0x0  }
0x7a: {  	s8 =	simm.s32 @!p2 $0x80;
	s9 =	simm.s32 @!p2 $0x7800;
	[sflag:s22] =	ssyncadd.s32 $0xFFFFC000  }
0x7b: {  	[tilespmem:s9], [sflag:$0x2] =	stream.indirect.gather @!p2 [hbm4b:s4+s8], $0x80, s5, s8, $0xb8;
	[tilespmem:$0x1F400] =	vst v63  }
0x7c: {  	p2 =	sne.s32 s24, $0x0  }
.Ltmp2:
0x7d: {  	_ = 	snop;
	(pc) =	sbr.rel @!p2 .LBB2_5-.Ltmp2, $4  }
0x7e: {  	_ = 	snop  }
0x7f: {  	s5 =	simm.s32 $0x1C80  }
0x80: {  	[spmem:s1] =	stream.indirect.scatter.add.f32 [tilespmem:s19], [sflag:$0x3], $0x80, s5, s17, $0xb8;
	[tilespmem:$0x1F400] =	vst v63  }
0x81: {  	s8 =	simm.s32 $0x200;
	s9 =	simm.s32 $0x5;
	_ =	swait.ge [sflag:s21], $0x4000  }
.LBB2_4:
0x82: {  	s24 =	sadd.s32 $0xFFFFFFFF, s24;
	[sflag:s21] =	ssyncset.done $0x0;
	s5 =	sadd.s32 $0x100, s5  }
0x83: {  	p2 =	sne.s32 s24, $0x0;
	[sflag:s21] =	ssyncadd.s32 $0xFFFFC000  }
0x84: {  	s10 =	sadd.s32 $0xFFFFFFFF, s9;
	_ =	swait.ge [sflag:s20], $0x4000  }
0x85: {  	p3 =	sge.u32 s10, s7;
	[sflag:s20] =	ssyncset.done $0x0  }
0x86: {  	s10 =	simm.s32 @!p3 $0x80;
	s11 =	simm.s32 @!p3 $0x3800;
	[sflag:s20] =	ssyncadd.s32 $0xFFFFC000  }
0x87: {  	[tilespmem:s11], [sflag:$0x1] =	stream.indirect.gather @!p3 [hbm4b:s4+s10], $0x80, s8, s10, $0xb8;
	[tilespmem:$0x1F400] =	vst v63  }
0x88: {  	s10 =	sadd.s32 $0xFFFFFF80, s5  }
0x89: {  	[spmem:s1] =	stream.indirect.scatter.add.f32 [tilespmem:s18], [sflag:$0x3], $0x80, s10, s17, $0xb8;
	[tilespmem:$0x1F400] =	vst v63  }
0x8a: {  	_ =	swait.ge [sflag:s21], $0x4000  }
0x8b: {  	[sflag:s21] =	ssyncset.done $0x0  }
0x8c: {  	[sflag:s21] =	ssyncadd.s32 $0xFFFFC000  }
0x8d: {  	_ =	swait.ge [sflag:s22], $0x4000  }
0x8e: {  	p3 =	sge.u32 s9, s7;
	[sflag:s22] =	ssyncset.done $0x0  }
0x8f: {  	s11 =	simm.s32 @!p3 $0x80;
	s10 =	sadd.s32 @!p3 $0x80, s8;
	[sflag:s22] =	ssyncadd.s32 $0xFFFFC000  }
.Ltmp3:
0x90: {  	s16 =	simm.s32 @!p3 $0x7800;
	(pc) =	sbr.rel @p2 .LBB2_4-.Ltmp3, $4  }
0x91: {  	[tilespmem:s16], [sflag:$0x2] =	stream.indirect.gather @!p3 [hbm4b:s4+s11], $0x80, s10, s11, $0xb8;
	[tilespmem:$0x1F400] =	vst v63  }
0x92: {  	_ = 	snop  }
0x93: {  	[spmem:s1] =	stream.indirect.scatter.add.f32 [tilespmem:s19], [sflag:$0x3], $0x80, s5, s17, $0xb8;
	[tilespmem:$0x1F400] =	vst v63  }
0x94: {  	s9 =	sadd.s32 $0x2, s9;
	s8 =	sadd.s32 $0x100, s8;
	_ =	swait.ge [sflag:s21], $0x4000  }
.LBB2_5:
0x95: {  	[sflag:s21] =	ssyncset.done $0x0  }
0x96: {  	[sflag:s21] =	ssyncadd.s32 $0xFFFFC000  }
0x97: {  	_ =	swait.ge [sflag:s20], $0x4000  }
0x98: {  	[sflag:s20] =	ssyncset.done $0x0  }
0x99: {  	[sflag:s20] =	ssyncadd.s32 $0xFFFFC000  }
0x9a: {  	[tilespmem:s28], [sflag:$0x1] =	stream.indirect.gather @!p0 [hbm4b:s4+s26], $0x80, s25, s26, $0xb8;
	[tilespmem:$0x1F400] =	vst v63  }
0x9b: {  	_ = 	snop  }
0x9c: {  	[spmem:s1] =	stream.indirect.scatter.add.f32 [tilespmem:s18], [sflag:$0x3], $0x80, s29, s17, $0xb8;
	[tilespmem:$0x1F400] =	vst v63  }
0x9d: {  	_ =	swait.ge [sflag:s21], $0x4000  }
0x9e: {  	[sflag:s21] =	ssyncset.done $0x0  }
0x9f: {  	[sflag:s21] =	ssyncadd.s32 $0xFFFFC000  }
0xa0: {  	_ =	swait.ge [sflag:s22], $0x4000  }
0xa1: {  	[sflag:s22] =	ssyncset.done $0x0  }
0xa2: {  	[sflag:s22] =	ssyncadd.s32 $0xFFFFC000  }
0xa3: {  	[tilespmem:s0], [sflag:$0x2] =	stream.indirect.gather @!p1 [hbm4b:s4+s31], $0x80, s30, s31, $0xb8;
	[tilespmem:$0x1F400] =	vst v63  }
0xa4: {  	_ = 	snop  }
0xa5: {  	[spmem:s1] =	stream.indirect.scatter.add.f32 [tilespmem:s19], [sflag:$0x3], $0x80, s2, s17, $0xb8;
	[tilespmem:$0x1F400] =	vst v63  }
0xa6: {  	_ =	swait.ge [sflag:s21], $0x4000  }
0xa7: {  	s23 =	sadd.s32 $0x1, s23;
	[sflag:s21] =	ssyncset.done $0x0  }
0xa8: {  	p0 =	sne.s32 s23, s13;
	[sflag:s21] =	ssyncadd.s32 $0xFFFFC000  }
.Ltmp4:
0xa9: {  	[bflag:$0x0] =	sbarrier.arrive $0xFFFF;
	(pc) =	sbr.rel @p0 .LBB2_1-.Ltmp4, $4  }
0xaa: {  	[hbm:s12], [sflag:s6] =	dma.local [spmem:s15], $0x2780  }
0xab: {  	_ =	swait.ge [sflag:s21], $0x2780  }
0xac: {  	[sflag:s21] =	ssyncset.done $0x0  }
0xad: {  	s10 =	simm.s32 $0x1C00;
	[sflag:s21] =	ssyncadd.s32 $0xFFFFD880  }
0xae: {  	_ =	sfence.sel $0x180000  }
0xaf: {  	[bflag:$0x0] =	sbarrier.arrive $0xFFFF  }
0xb0: {  	_ =	strace $0x90000047  }
0xb1: {  	s0 =	stileid.u32;
	[bflag:$0x2] =	sbarrier.arrive $0xFFFF  }
0xb2: {  	p0 =	sne.s32 s0, $0x0;
	s0 =	rddreg [dreg:$0x2]  }
0xb3: {  	s0 =	sadd.s32 @!p0 $0x100000, s0  }
0xb4: {  	[sflag:s0] =	ssyncadd.tile.s32 @!p0 $0x1;
	_ =	shalt  }
.Lfunc_end2:
_tile_overlayer_lowered:
.L_overlay_start_2:
0xb5: {  	(tag) =	ssettag $0x2  }
0xb6: {  	s0 =	rddreg [dreg:$0x0];
	s2 =	stileid.u32  }
0xb7: {  	s1 =	rddreg [dreg:$0x1];
	p0 =	sne.s32 s2, $0x0  }
0xb8: {  	s3 =	rddreg [dreg:$0x2];
	[bflag:$0x3] =	sbarrier.arrive $0xFFFF;
	s2 =	simm.s32 @!p0 $0x1C03  }
0xb9: {  	[timem:s3], [sflag:s2] =	dma.local @!p0 [hbm:s0], s1  }
0xba: {  	s0 =	simm.s32 @!p0 $0x3  }
0xbb: {  	_ =	swait.ge @!p0 [sflag:s0], s1  }
0xbc: {  	s1 =	ssub.s32 @!p0 $0x0, s1;
	[sflag:s0] =	ssyncset.done @!p0 $0x0  }
0xbd: {  	[sflag:s0] =	ssyncadd.s32 @!p0 s1  }
0xbe: {  	[bflag:$0x3] =	sbarrier.arrive $0xFFFF  }
0xbf: {  	_ =	shalt  }

</sc_bundles>
